<compile_context>
chip_gen: v7x
topology: tpu7x:2x2x1
jax: 0.10.2.dev20260603
libtpu: 0.0.44.dev20260713+nightly
codegen_flags: <defaults>
</compile_context>

<pallas_src>
import functools

import jax
import jax.numpy as jnp
from jax import lax
from jax.experimental import pallas as pl
from jax.experimental.pallas import tpu as pltpu
from jax.experimental.pallas import tpu_sc as plsc

_TABLE_ROWS = 1024
_LIVE_ROWS = 1000
_D_IN = 128
_D_HID = 512
_D_OUT = 512
_BATCH = 16384



def _mlp_table_body(emb_ref, w1_ref, b1_ref, w2_ref, b2_ref, out_ref):
    h = jnp.dot(emb_ref[...], w1_ref[...], preferred_element_type=jnp.float32)
    h = h + b1_ref[...]
    h = h * lax.logistic(h)
    o = jnp.dot(h, w2_ref[...], preferred_element_type=jnp.float32)
    o = o + b2_ref[...]
    out_ref[pl.ds(0, _LIVE_ROWS), :] = o * lax.logistic(o)


def _mlp_table(embedding, W1, b1, W2, b2):
    return pl.pallas_call(
        _mlp_table_body,
        out_shape=jax.ShapeDtypeStruct((_TABLE_ROWS, _D_OUT), jnp.float32),
    )(embedding, W1, b1.reshape(1, _D_HID), W2, b2.reshape(1, _D_OUT))



_info = plsc.get_sparse_core_info()
_NC, _NS = _info.num_cores, _info.num_subcores
_NW = _NC * _NS
_BPW = _BATCH // _NW
_CHUNK = 64
_NCHUNK = _BPW // _CHUNK
_NBUF = 3

_sc_mesh = plsc.VectorSubcoreMesh(core_axis_name="c", subcore_axis_name="s")


@functools.partial(
    pl.kernel,
    mesh=_sc_mesh,
    out_type=jax.ShapeDtypeStruct((_BATCH, _D_OUT), jnp.float32),
    scratch_types=[
        pltpu.VMEM((_BPW,), jnp.int32),
        pltpu.VMEM((_NBUF, _CHUNK, _D_OUT), jnp.float32),
        pltpu.SemaphoreType.DMA((_NBUF,)),
        pltpu.SemaphoreType.DMA((_NBUF,)),
    ],
)
def _sc_gather(table_hbm, idx_hbm, out_hbm, idx_v, rows_v, gsem, osem):
    wid = lax.axis_index("s") * _NC + lax.axis_index("c")
    base = wid * _BPW
    pltpu.sync_copy(idx_hbm.at[pl.ds(base, _BPW)], idx_v)

    def fire_gather(c):
        return pltpu.async_copy(
            table_hbm.at[idx_v.at[pl.ds(c * _CHUNK, _CHUNK)]],
            rows_v.at[c % _NBUF],
            gsem.at[c % _NBUF],
        )

    def fire_out(c):
        return pltpu.async_copy(
            rows_v.at[c % _NBUF],
            out_hbm.at[pl.ds(base + c * _CHUNK, _CHUNK)],
            osem.at[c % _NBUF],
        )

    gathers = {0: fire_gather(0)}
    outs = {}
    for c in range(_NCHUNK):
        nxt = c + 1
        if nxt < _NCHUNK:
            if nxt - _NBUF in outs:
                outs[nxt - _NBUF].wait()
            gathers[nxt] = fire_gather(nxt)
        gathers[c].wait()
        outs[c] = fire_out(c)
    for c in range(_NCHUNK - _NBUF, _NCHUNK):
        outs[c].wait()




def kernel(diffusion_step, embedding, W1, b1, W2, b2):
    table = _mlp_table(embedding, W1, b1, W2, b2)
    idx = diffusion_step.astype(jnp.int32)
    return _sc_gather(table, idx)

# --- scband reference (transcript-rebuilt; emitter-appended) ---
"""Pipeline reference for scband-diff-embedding-60782377173283 (READ-ONLY COPY).

The authoritative reference and input builder live on the scoring server;
editing this copy changes nothing except your own understanding.
"""

import jax, jax.numpy as jnp
import numpy as np

MAX_STEPS = 1000
BATCH = 16384

def _build_embeddings():
    steps = jnp.arange(MAX_STEPS, dtype=jnp.float32)[:, None]
    dims = jnp.arange(64, dtype=jnp.float32)[None, :]
    m = steps * (10.0 ** (dims * 4.0 / 63.0))
    return jnp.concatenate([jnp.sin(m), jnp.cos(m)], axis=1)

def setup_inputs(seed: int = 0) -> dict:
    key = jax.random.key(seed)
    k1, k2, k3, k4, k5 = jax.random.split(key, 5)
    diffusion_step = jax.random.randint(k1, (BATCH,), 0, MAX_STEPS, dtype=jnp.int64 if jax.config.read('jax_enable_x64') else jnp.int32)
    embedding = _build_embeddings()
    # nn.Linear(128, 512) and nn.Linear(512, 512): kaiming-uniform-ish init
    W1 = jax.random.uniform(k2, (128, 512), jnp.float32, -1.0, 1.0) * (1.0 / np.sqrt(128.0))
    b1 = jax.random.uniform(k3, (512,), jnp.float32, -1.0, 1.0) * (1.0 / np.sqrt(128.0))
    W2 = jax.random.uniform(k4, (512, 512), jnp.float32, -1.0, 1.0) * (1.0 / np.sqrt(512.0))
    b2 = jax.random.uniform(k5, (512,), jnp.float32, -1.0, 1.0) * (1.0 / np.sqrt(512.0))
    return {"diffusion_step": diffusion_step, "embedding": embedding, "W1": W1, "b1": b1, "W2": W2, "b2": b2}

def reference(diffusion_step, embedding, W1, b1, W2, b2):
    # integer dtype path: direct gather from the sinusoidal table
    x = jnp.take(embedding, diffusion_step, axis=0)  # [B, 128]
    x = jax.nn.silu(x @ W1 + b1)                      # Linear(128->512) + SiLU
    x = jax.nn.silu(x @ W2 + b2)                      # Linear(512->512) + SiLU
    return x

if __name__ == "__main__":
    import jax
    _d = setup_inputs()
    print(jax.jit(kernel)(*tuple(_d.values())))

</pallas_src>

<mosaic_0001>
#map = affine_map<(d0, d1) -> (0, 0)>
#map1 = affine_map<(d0, d1) -> (0)>
module attributes {stable_mosaic.version = 14 : i64} {
  func.func @_sc_gather(%arg0: i32, %arg1: i32, %arg2: memref<1024x512xf32, #tpu.memory_space<hbm>>, %arg3: memref<16384xi32, #tpu.memory_space<hbm>>, %arg4: memref<16384x512xf32, #tpu.memory_space<hbm>>, %arg5: memref<512xi32, #tpu.memory_space<vmem>>, %arg6: memref<3x64x512xf32, #tpu.memory_space<vmem>>, %arg7: memref<3x!tpu.dma_semaphore, #tpu.memory_space<semaphore_mem>>, %arg8: memref<3x!tpu.dma_semaphore, #tpu.memory_space<semaphore_mem>>) attributes {dimension_semantics = [#tpu.dimension_semantics<core_parallel>, #tpu.dimension_semantics<subcore_parallel>], iteration_bounds = array<i64: 2, 16>, scalar_prefetch = 0 : i64, scratch_operands = 4 : i64, tpu.core_type = #tpu.core_type<sc_vector_subcore>, window_params = [{transform_indices = #map}, {transform_indices = #map1}, {transform_indices = #map}]} {
    %mul3A = arith.constant 2 : i32
    %mul3A_0 = arith.muli %arg1, %mul3A : i32
    %add3A = arith.addi %mul3A_0, %arg0 : i32
    %mul3A_1 = arith.constant 512 : i32
    %mul3A_2 = arith.muli %add3A, %mul3A_1 : i32
    "tpu.region"() ({
      %run_scoped3A = tpu.sem_alloc : memref<!tpu.dma_semaphore, #tpu.memory_space<semaphore_mem>>
      %dma_start3A_481 = tpu.memref_slice %arg3[%mul3A_2] : memref<16384xi32, #tpu.memory_space<hbm>> -> memref<512xi32, #tpu.memory_space<hbm>>
      %dma_start3A_482 = tpu.memref_slice %arg3[%mul3A_2] : memref<16384xi32, #tpu.memory_space<hbm>> -> memref<512xi32, #tpu.memory_space<hbm>>
      tpu.enqueue_dma source(%dma_start3A_482 : memref<512xi32, #tpu.memory_space<hbm>>) target(%arg5 : memref<512xi32, #tpu.memory_space<vmem>>) target_semaphore(%run_scoped3A : memref<!tpu.dma_semaphore, #tpu.memory_space<semaphore_mem>>)
      %dma_wait3A_483 = tpu.memref_slice %arg3[%mul3A_2] : memref<16384xi32, #tpu.memory_space<hbm>> -> memref<512xi32, #tpu.memory_space<hbm>>
      %dma_wait3A_484 = tpu.memref_slice %arg3[%mul3A_2] : memref<16384xi32, #tpu.memory_space<hbm>> -> memref<512xi32, #tpu.memory_space<hbm>>
      tpu.wait_dma2 semaphore(%run_scoped3A : memref<!tpu.dma_semaphore, #tpu.memory_space<semaphore_mem>>) src(%dma_wait3A_484 : memref<512xi32, #tpu.memory_space<hbm>>) dst(%arg5 : memref<512xi32, #tpu.memory_space<vmem>>)
      tpu.yield
    }) : () -> ()
    %dma_start3A = arith.constant 0 : i32
    %dma_start3A_3 = arith.constant 0 : i32
    %dma_start3A_4 = arith.constant 0 : i32
    %dma_start3A_5 = arith.constant 0 : i32
    %dma_start3A_6 = tpu.memref_slice %arg6[%dma_start3A, %dma_start3A_4, %dma_start3A_5] : memref<3x64x512xf32, #tpu.memory_space<vmem>> -> memref<1x64x512xf32, #tpu.memory_space<vmem>>
    %dma_start3A_7 = tpu.memref_squeeze %dma_start3A_6 : memref<1x64x512xf32, #tpu.memory_space<vmem>> -> memref<64x512xf32, #tpu.memory_space<vmem>>
    %dma_start3A_8 = arith.constant 0 : i32
    %dma_start3A_9 = tpu.memref_slice %arg5[%dma_start3A_8] : memref<512xi32, #tpu.memory_space<vmem>> -> memref<64xi32, #tpu.memory_space<vmem>>
    %dma_start3A_10 = arith.constant 0 : i32
    %dma_start3A_11 = arith.constant 0 : i32
    %dma_start3A_12 = tpu.memref_slice %arg2[%dma_start3A_10, %dma_start3A_11] : memref<1024x512xf32, #tpu.memory_space<hbm>> -> memref<1024x512xf32, #tpu.memory_space<hbm>>
    %dma_start3A_13 = tpu.memref_slice %arg7[%dma_start3A_3] : memref<3x!tpu.dma_semaphore, #tpu.memory_space<semaphore_mem>> -> memref<1x!tpu.dma_semaphore, #tpu.memory_space<semaphore_mem>>
    %dma_start3A_14 = tpu.memref_squeeze %dma_start3A_13 : memref<1x!tpu.dma_semaphore, #tpu.memory_space<semaphore_mem>> -> memref<!tpu.dma_semaphore, #tpu.memory_space<semaphore_mem>>
    tpu.enqueue_indirect_dma source(%dma_start3A_12 : memref<1024x512xf32, #tpu.memory_space<hbm>>) target(%dma_start3A_7 : memref<64x512xf32, #tpu.memory_space<vmem>>) offsets(%dma_start3A_9 : memref<64xi32, #tpu.memory_space<vmem>>) semaphore(%dma_start3A_14 : memref<!tpu.dma_semaphore, #tpu.memory_space<semaphore_mem>>)
    %dma_start3A_15 = arith.constant 1 : i32
    %dma_start3A_16 = arith.constant 1 : i32
    %dma_start3A_17 = arith.constant 0 : i32
    %dma_start3A_18 = arith.constant 0 : i32
    %dma_start3A_19 = tpu.memref_slice %arg6[%dma_start3A_15, %dma_start3A_17, %dma_start3A_18] : memref<3x64x512xf32, #tpu.memory_space<vmem>> -> memref<1x64x512xf32, #tpu.memory_space<vmem>>
    %dma_start3A_20 = tpu.memref_squeeze %dma_start3A_19 : memref<1x64x512xf32, #tpu.memory_space<vmem>> -> memref<64x512xf32, #tpu.memory_space<vmem>>
    %dma_start3A_21 = arith.constant 64 : i32
    %dma_start3A_22 = tpu.memref_slice %arg5[%dma_start3A_21] : memref<512xi32, #tpu.memory_space<vmem>> -> memref<64xi32, #tpu.memory_space<vmem>>
    %dma_start3A_23 = arith.constant 0 : i32
    %dma_start3A_24 = arith.constant 0 : i32
    %dma_start3A_25 = tpu.memref_slice %arg2[%dma_start3A_23, %dma_start3A_24] : memref<1024x512xf32, #tpu.memory_space<hbm>> -> memref<1024x512xf32, #tpu.memory_space<hbm>>
    %dma_start3A_26 = tpu.memref_slice %arg7[%dma_start3A_16] : memref<3x!tpu.dma_semaphore, #tpu.memory_space<semaphore_mem>> -> memref<1x!tpu.dma_semaphore, #tpu.memory_space<semaphore_mem>>
    %dma_start3A_27 = tpu.memref_squeeze %dma_start3A_26 : memref<1x!tpu.dma_semaphore, #tpu.memory_space<semaphore_mem>> -> memref<!tpu.dma_semaphore, #tpu.memory_space<semaphore_mem>>
    tpu.enqueue_indirect_dma source(%dma_start3A_25 : memref<1024x512xf32, #tpu.memory_space<hbm>>) target(%dma_start3A_20 : memref<64x512xf32, #tpu.memory_space<vmem>>) offsets(%dma_start3A_22 : memref<64xi32, #tpu.memory_space<vmem>>) semaphore(%dma_start3A_27 : memref<!tpu.dma_semaphore, #tpu.memory_space<semaphore_mem>>)
    %dma_wait3A = arith.constant 0 : i32
    %dma_wait3A_28 = arith.constant 0 : i32
    %dma_wait3A_29 = arith.constant 0 : i32
    %dma_wait3A_30 = arith.constant 0 : i32
    %dma_wait3A_31 = tpu.memref_slice %arg6[%dma_wait3A, %dma_wait3A_29, %dma_wait3A_30] : memref<3x64x512xf32, #tpu.memory_space<vmem>> -> memref<1x64x512xf32, #tpu.memory_space<vmem>>
    %dma_wait3A_32 = tpu.memref_squeeze %dma_wait3A_31 : memref<1x64x512xf32, #tpu.memory_space<vmem>> -> memref<64x512xf32, #tpu.memory_space<vmem>>
    %dma_wait3A_33 = arith.constant 0 : i32
    %dma_wait3A_34 = tpu.memref_slice %arg5[%dma_wait3A_33] : memref<512xi32, #tpu.memory_space<vmem>> -> memref<64xi32, #tpu.memory_space<vmem>>
    %dma_wait3A_35 = arith.constant 0 : i32
    %dma_wait3A_36 = arith.constant 0 : i32
    %dma_wait3A_37 = tpu.memref_slice %arg2[%dma_wait3A_35, %dma_wait3A_36] : memref<1024x512xf32, #tpu.memory_space<hbm>> -> memref<1024x512xf32, #tpu.memory_space<hbm>>
    %dma_wait3A_38 = tpu.memref_slice %arg7[%dma_wait3A_28] : memref<3x!tpu.dma_semaphore, #tpu.memory_space<semaphore_mem>> -> memref<1x!tpu.dma_semaphore, #tpu.memory_space<semaphore_mem>>
    %dma_wait3A_39 = tpu.memref_squeeze %dma_wait3A_38 : memref<1x!tpu.dma_semaphore, #tpu.memory_space<semaphore_mem>> -> memref<!tpu.dma_semaphore, #tpu.memory_space<semaphore_mem>>
    tpu.wait_indirect_dma semaphore(%dma_wait3A_39 : memref<!tpu.dma_semaphore, #tpu.memory_space<semaphore_mem>>) src(%dma_wait3A_37 : memref<1024x512xf32, #tpu.memory_space<hbm>>) dst(%dma_wait3A_32 : memref<64x512xf32, #tpu.memory_space<vmem>>)
    %add3A_40 = arith.constant 0 : i32
    %add3A_41 = arith.addi %mul3A_2, %add3A_40 : i32
    %dma_start3A_42 = arith.constant 0 : i32
    %dma_start3A_43 = arith.constant 0 : i32
    %dma_start3A_44 = arith.constant 0 : i32
    %dma_start3A_45 = arith.constant 0 : i32
    %dma_start3A_46 = tpu.memref_slice %arg6[%dma_start3A_42, %dma_start3A_44, %dma_start3A_45] : memref<3x64x512xf32, #tpu.memory_space<vmem>> -> memref<1x64x512xf32, #tpu.memory_space<vmem>>
    %dma_start3A_47 = tpu.memref_squeeze %dma_start3A_46 : memref<1x64x512xf32, #tpu.memory_space<vmem>> -> memref<64x512xf32, #tpu.memory_space<vmem>>
    %dma_start3A_48 = arith.constant 0 : i32
    %dma_start3A_49 = tpu.memref_slice %arg4[%add3A_41, %dma_start3A_48] : memref<16384x512xf32, #tpu.memory_space<hbm>> -> memref<64x512xf32, #tpu.memory_space<hbm>>
    %dma_start3A_50 = tpu.memref_slice %arg8[%dma_start3A_43] : memref<3x!tpu.dma_semaphore, #tpu.memory_space<semaphore_mem>> -> memref<1x!tpu.dma_semaphore, #tpu.memory_space<semaphore_mem>>
    %dma_start3A_51 = tpu.memref_squeeze %dma_start3A_50 : memref<1x!tpu.dma_semaphore, #tpu.memory_space<semaphore_mem>> -> memref<!tpu.dma_semaphore, #tpu.memory_space<semaphore_mem>>
    %dma_start3A_52 = arith.constant 0 : i32
    %dma_start3A_53 = tpu.memref_slice %arg4[%add3A_41, %dma_start3A_52] : memref<16384x512xf32, #tpu.memory_space<hbm>> -> memref<64x512xf32, #tpu.memory_space<hbm>>
    %dma_start3A_54 = arith.constant 0 : i32
    %dma_start3A_55 = arith.constant 0 : i32
    %dma_start3A_56 = tpu.memref_slice %arg6[%dma_start3A_42, %dma_start3A_54, %dma_start3A_55] : memref<3x64x512xf32, #tpu.memory_space<vmem>> -> memref<1x64x512xf32, #tpu.memory_space<vmem>>
    %dma_start3A_57 = tpu.memref_squeeze %dma_start3A_56 : memref<1x64x512xf32, #tpu.memory_space<vmem>> -> memref<64x512xf32, #tpu.memory_space<vmem>>
    tpu.enqueue_dma source(%dma_start3A_57 : memref<64x512xf32, #tpu.memory_space<vmem>>) target(%dma_start3A_53 : memref<64x512xf32, #tpu.memory_space<hbm>>) target_semaphore(%dma_start3A_51 : memref<!tpu.dma_semaphore, #tpu.memory_space<semaphore_mem>>)
    %dma_start3A_58 = arith.constant 2 : i32
    %dma_start3A_59 = arith.constant 2 : i32
    %dma_start3A_60 = arith.constant 0 : i32
    %dma_start3A_61 = arith.constant 0 : i32
    %dma_start3A_62 = tpu.memref_slice %arg6[%dma_start3A_58, %dma_start3A_60, %dma_start3A_61] : memref<3x64x512xf32, #tpu.memory_space<vmem>> -> memref<1x64x512xf32, #tpu.memory_space<vmem>>
    %dma_start3A_63 = tpu.memref_squeeze %dma_start3A_62 : memref<1x64x512xf32, #tpu.memory_space<vmem>> -> memref<64x512xf32, #tpu.memory_space<vmem>>
    %dma_start3A_64 = arith.constant 128 : i32
    %dma_start3A_65 = tpu.memref_slice %arg5[%dma_start3A_64] : memref<512xi32, #tpu.memory_space<vmem>> -> memref<64xi32, #tpu.memory_space<vmem>>
    %dma_start3A_66 = arith.constant 0 : i32
    %dma_start3A_67 = arith.constant 0 : i32
    %dma_start3A_68 = tpu.memref_slice %arg2[%dma_start3A_66, %dma_start3A_67] : memref<1024x512xf32, #tpu.memory_space<hbm>> -> memref<1024x512xf32, #tpu.memory_space<hbm>>
    %dma_start3A_69 = tpu.memref_slice %arg7[%dma_start3A_59] : memref<3x!tpu.dma_semaphore, #tpu.memory_space<semaphore_mem>> -> memref<1x!tpu.dma_semaphore, #tpu.memory_space<semaphore_mem>>
    %dma_start3A_70 = tpu.memref_squeeze %dma_start3A_69 : memref<1x!tpu.dma_semaphore, #tpu.memory_space<semaphore_mem>> -> memref<!tpu.dma_semaphore, #tpu.memory_space<semaphore_mem>>
    tpu.enqueue_indirect_dma source(%dma_start3A_68 : memref<1024x512xf32, #tpu.memory_space<hbm>>) target(%dma_start3A_63 : memref<64x512xf32, #tpu.memory_space<vmem>>) offsets(%dma_start3A_65 : memref<64xi32, #tpu.memory_space<vmem>>) semaphore(%dma_start3A_70 : memref<!tpu.dma_semaphore, #tpu.memory_space<semaphore_mem>>)
    %dma_wait3A_71 = arith.constant 1 : i32
    %dma_wait3A_72 = arith.constant 1 : i32
    %dma_wait3A_73 = arith.constant 0 : i32
    %dma_wait3A_74 = arith.constant 0 : i32
    %dma_wait3A_75 = tpu.memref_slice %arg6[%dma_wait3A_71, %dma_wait3A_73, %dma_wait3A_74] : memref<3x64x512xf32, #tpu.memory_space<vmem>> -> memref<1x64x512xf32, #tpu.memory_space<vmem>>
    %dma_wait3A_76 = tpu.memref_squeeze %dma_wait3A_75 : memref<1x64x512xf32, #tpu.memory_space<vmem>> -> memref<64x512xf32, #tpu.memory_space<vmem>>
    %dma_wait3A_77 = arith.constant 64 : i32
    %dma_wait3A_78 = tpu.memref_slice %arg5[%dma_wait3A_77] : memref<512xi32, #tpu.memory_space<vmem>> -> memref<64xi32, #tpu.memory_space<vmem>>
    %dma_wait3A_79 = arith.constant 0 : i32
    %dma_wait3A_80 = arith.constant 0 : i32
    %dma_wait3A_81 = tpu.memref_slice %arg2[%dma_wait3A_79, %dma_wait3A_80] : memref<1024x512xf32, #tpu.memory_space<hbm>> -> memref<1024x512xf32, #tpu.memory_space<hbm>>
    %dma_wait3A_82 = tpu.memref_slice %arg7[%dma_wait3A_72] : memref<3x!tpu.dma_semaphore, #tpu.memory_space<semaphore_mem>> -> memref<1x!tpu.dma_semaphore, #tpu.memory_space<semaphore_mem>>
    %dma_wait3A_83 = tpu.memref_squeeze %dma_wait3A_82 : memref<1x!tpu.dma_semaphore, #tpu.memory_space<semaphore_mem>> -> memref<!tpu.dma_semaphore, #tpu.memory_space<semaphore_mem>>
    tpu.wait_indirect_dma semaphore(%dma_wait3A_83 : memref<!tpu.dma_semaphore, #tpu.memory_space<semaphore_mem>>) src(%dma_wait3A_81 : memref<1024x512xf32, #tpu.memory_space<hbm>>) dst(%dma_wait3A_76 : memref<64x512xf32, #tpu.memory_space<vmem>>)
    %add3A_84 = arith.constant 64 : i32
    %add3A_85 = arith.addi %mul3A_2, %add3A_84 : i32
    %dma_start3A_86 = arith.constant 1 : i32
    %dma_start3A_87 = arith.constant 1 : i32
    %dma_start3A_88 = arith.constant 0 : i32
    %dma_start3A_89 = arith.constant 0 : i32
    %dma_start3A_90 = tpu.memref_slice %arg6[%dma_start3A_86, %dma_start3A_88, %dma_start3A_89] : memref<3x64x512xf32, #tpu.memory_space<vmem>> -> memref<1x64x512xf32, #tpu.memory_space<vmem>>
    %dma_start3A_91 = tpu.memref_squeeze %dma_start3A_90 : memref<1x64x512xf32, #tpu.memory_space<vmem>> -> memref<64x512xf32, #tpu.memory_space<vmem>>
    %dma_start3A_92 = arith.constant 0 : i32
    %dma_start3A_93 = tpu.memref_slice %arg4[%add3A_85, %dma_start3A_92] : memref<16384x512xf32, #tpu.memory_space<hbm>> -> memref<64x512xf32, #tpu.memory_space<hbm>>
    %dma_start3A_94 = tpu.memref_slice %arg8[%dma_start3A_87] : memref<3x!tpu.dma_semaphore, #tpu.memory_space<semaphore_mem>> -> memref<1x!tpu.dma_semaphore, #tpu.memory_space<semaphore_mem>>
    %dma_start3A_95 = tpu.memref_squeeze %dma_start3A_94 : memref<1x!tpu.dma_semaphore, #tpu.memory_space<semaphore_mem>> -> memref<!tpu.dma_semaphore, #tpu.memory_space<semaphore_mem>>
    %dma_start3A_96 = arith.constant 0 : i32
    %dma_start3A_97 = tpu.memref_slice %arg4[%add3A_85, %dma_start3A_96] : memref<16384x512xf32, #tpu.memory_space<hbm>> -> memref<64x512xf32, #tpu.memory_space<hbm>>
    %dma_start3A_98 = arith.constant 0 : i32
    %dma_start3A_99 = arith.constant 0 : i32
    %dma_start3A_100 = tpu.memref_slice %arg6[%dma_start3A_86, %dma_start3A_98, %dma_start3A_99] : memref<3x64x512xf32, #tpu.memory_space<vmem>> -> memref<1x64x512xf32, #tpu.memory_space<vmem>>
    %dma_start3A_101 = tpu.memref_squeeze %dma_start3A_100 : memref<1x64x512xf32, #tpu.memory_space<vmem>> -> memref<64x512xf32, #tpu.memory_space<vmem>>
    tpu.enqueue_dma source(%dma_start3A_101 : memref<64x512xf32, #tpu.memory_space<vmem>>) target(%dma_start3A_97 : memref<64x512xf32, #tpu.memory_space<hbm>>) target_semaphore(%dma_start3A_95 : memref<!tpu.dma_semaphore, #tpu.memory_space<semaphore_mem>>)
    %dma_wait3A_102 = arith.constant 0 : i32
    %dma_wait3A_103 = arith.constant 0 : i32
    %dma_wait3A_104 = arith.constant 0 : i32
    %dma_wait3A_105 = arith.constant 0 : i32
    %dma_wait3A_106 = tpu.memref_slice %arg6[%dma_wait3A_102, %dma_wait3A_104, %dma_wait3A_105] : memref<3x64x512xf32, #tpu.memory_space<vmem>> -> memref<1x64x512xf32, #tpu.memory_space<vmem>>
    %dma_wait3A_107 = tpu.memref_squeeze %dma_wait3A_106 : memref<1x64x512xf32, #tpu.memory_space<vmem>> -> memref<64x512xf32, #tpu.memory_space<vmem>>
    %dma_wait3A_108 = arith.constant 0 : i32
    %dma_wait3A_109 = tpu.memref_slice %arg4[%add3A_41, %dma_wait3A_108] : memref<16384x512xf32, #tpu.memory_space<hbm>> -> memref<64x512xf32, #tpu.memory_space<hbm>>
    %dma_wait3A_110 = tpu.memref_slice %arg8[%dma_wait3A_103] : memref<3x!tpu.dma_semaphore, #tpu.memory_space<semaphore_mem>> -> memref<1x!tpu.dma_semaphore, #tpu.memory_space<semaphore_mem>>
    %dma_wait3A_111 = tpu.memref_squeeze %dma_wait3A_110 : memref<1x!tpu.dma_semaphore, #tpu.memory_space<semaphore_mem>> -> memref<!tpu.dma_semaphore, #tpu.memory_space<semaphore_mem>>
    %dma_wait3A_112 = arith.constant 0 : i32
    %dma_wait3A_113 = tpu.memref_slice %arg4[%add3A_41, %dma_wait3A_112] : memref<16384x512xf32, #tpu.memory_space<hbm>> -> memref<64x512xf32, #tpu.memory_space<hbm>>
    %dma_wait3A_114 = arith.constant 0 : i32
    %dma_wait3A_115 = arith.constant 0 : i32
    %dma_wait3A_116 = tpu.memref_slice %arg6[%dma_wait3A_102, %dma_wait3A_114, %dma_wait3A_115] : memref<3x64x512xf32, #tpu.memory_space<vmem>> -> memref<1x64x512xf32, #tpu.memory_space<vmem>>
    %dma_wait3A_117 = tpu.memref_squeeze %dma_wait3A_116 : memref<1x64x512xf32, #tpu.memory_space<vmem>> -> memref<64x512xf32, #tpu.memory_space<vmem>>
    tpu.wait_dma2 semaphore(%dma_wait3A_111 : memref<!tpu.dma_semaphore, #tpu.memory_space<semaphore_mem>>) src(%dma_wait3A_117 : memref<64x512xf32, #tpu.memory_space<vmem>>) dst(%dma_wait3A_113 : memref<64x512xf32, #tpu.memory_space<hbm>>)
    %dma_start3A_118 = arith.constant 0 : i32
    %dma_start3A_119 = arith.constant 0 : i32
    %dma_start3A_120 = arith.constant 0 : i32
    %dma_start3A_121 = arith.constant 0 : i32
    %dma_start3A_122 = tpu.memref_slice %arg6[%dma_start3A_118, %dma_start3A_120, %dma_start3A_121] : memref<3x64x512xf32, #tpu.memory_space<vmem>> -> memref<1x64x512xf32, #tpu.memory_space<vmem>>
    %dma_start3A_123 = tpu.memref_squeeze %dma_start3A_122 : memref<1x64x512xf32, #tpu.memory_space<vmem>> -> memref<64x512xf32, #tpu.memory_space<vmem>>
    %dma_start3A_124 = arith.constant 192 : i32
    %dma_start3A_125 = tpu.memref_slice %arg5[%dma_start3A_124] : memref<512xi32, #tpu.memory_space<vmem>> -> memref<64xi32, #tpu.memory_space<vmem>>
    %dma_start3A_126 = arith.constant 0 : i32
    %dma_start3A_127 = arith.constant 0 : i32
    %dma_start3A_128 = tpu.memref_slice %arg2[%dma_start3A_126, %dma_start3A_127] : memref<1024x512xf32, #tpu.memory_space<hbm>> -> memref<1024x512xf32, #tpu.memory_space<hbm>>
    %dma_start3A_129 = tpu.memref_slice %arg7[%dma_start3A_119] : memref<3x!tpu.dma_semaphore, #tpu.memory_space<semaphore_mem>> -> memref<1x!tpu.dma_semaphore, #tpu.memory_space<semaphore_mem>>
    %dma_start3A_130 = tpu.memref_squeeze %dma_start3A_129 : memref<1x!tpu.dma_semaphore, #tpu.memory_space<semaphore_mem>> -> memref<!tpu.dma_semaphore, #tpu.memory_space<semaphore_mem>>
    tpu.enqueue_indirect_dma source(%dma_start3A_128 : memref<1024x512xf32, #tpu.memory_space<hbm>>) target(%dma_start3A_123 : memref<64x512xf32, #tpu.memory_space<vmem>>) offsets(%dma_start3A_125 : memref<64xi32, #tpu.memory_space<vmem>>) semaphore(%dma_start3A_130 : memref<!tpu.dma_semaphore, #tpu.memory_space<semaphore_mem>>)
    %dma_wait3A_131 = arith.constant 2 : i32
    %dma_wait3A_132 = arith.constant 2 : i32
    %dma_wait3A_133 = arith.constant 0 : i32
    %dma_wait3A_134 = arith.constant 0 : i32
    %dma_wait3A_135 = tpu.memref_slice %arg6[%dma_wait3A_131, %dma_wait3A_133, %dma_wait3A_134] : memref<3x64x512xf32, #tpu.memory_space<vmem>> -> memref<1x64x512xf32, #tpu.memory_space<vmem>>
    %dma_wait3A_136 = tpu.memref_squeeze %dma_wait3A_135 : memref<1x64x512xf32, #tpu.memory_space<vmem>> -> memref<64x512xf32, #tpu.memory_space<vmem>>
    %dma_wait3A_137 = arith.constant 128 : i32
    %dma_wait3A_138 = tpu.memref_slice %arg5[%dma_wait3A_137] : memref<512xi32, #tpu.memory_space<vmem>> -> memref<64xi32, #tpu.memory_space<vmem>>
    %dma_wait3A_139 = arith.constant 0 : i32
    %dma_wait3A_140 = arith.constant 0 : i32
    %dma_wait3A_141 = tpu.memref_slice %arg2[%dma_wait3A_139, %dma_wait3A_140] : memref<1024x512xf32, #tpu.memory_space<hbm>> -> memref<1024x512xf32, #tpu.memory_space<hbm>>
    %dma_wait3A_142 = tpu.memref_slice %arg7[%dma_wait3A_132] : memref<3x!tpu.dma_semaphore, #tpu.memory_space<semaphore_mem>> -> memref<1x!tpu.dma_semaphore, #tpu.memory_space<semaphore_mem>>
    %dma_wait3A_143 = tpu.memref_squeeze %dma_wait3A_142 : memref<1x!tpu.dma_semaphore, #tpu.memory_space<semaphore_mem>> -> memref<!tpu.dma_semaphore, #tpu.memory_space<semaphore_mem>>
    tpu.wait_indirect_dma semaphore(%dma_wait3A_143 : memref<!tpu.dma_semaphore, #tpu.memory_space<semaphore_mem>>) src(%dma_wait3A_141 : memref<1024x512xf32, #tpu.memory_space<hbm>>) dst(%dma_wait3A_136 : memref<64x512xf32, #tpu.memory_space<vmem>>)
    %add3A_144 = arith.constant 128 : i32
    %add3A_145 = arith.addi %mul3A_2, %add3A_144 : i32
    %dma_start3A_146 = arith.constant 2 : i32
    %dma_start3A_147 = arith.constant 2 : i32
    %dma_start3A_148 = arith.constant 0 : i32
    %dma_start3A_149 = arith.constant 0 : i32
    %dma_start3A_150 = tpu.memref_slice %arg6[%dma_start3A_146, %dma_start3A_148, %dma_start3A_149] : memref<3x64x512xf32, #tpu.memory_space<vmem>> -> memref<1x64x512xf32, #tpu.memory_space<vmem>>
    %dma_start3A_151 = tpu.memref_squeeze %dma_start3A_150 : memref<1x64x512xf32, #tpu.memory_space<vmem>> -> memref<64x512xf32, #tpu.memory_space<vmem>>
    %dma_start3A_152 = arith.constant 0 : i32
    %dma_start3A_153 = tpu.memref_slice %arg4[%add3A_145, %dma_start3A_152] : memref<16384x512xf32, #tpu.memory_space<hbm>> -> memref<64x512xf32, #tpu.memory_space<hbm>>
    %dma_start3A_154 = tpu.memref_slice %arg8[%dma_start3A_147] : memref<3x!tpu.dma_semaphore, #tpu.memory_space<semaphore_mem>> -> memref<1x!tpu.dma_semaphore, #tpu.memory_space<semaphore_mem>>
    %dma_start3A_155 = tpu.memref_squeeze %dma_start3A_154 : memref<1x!tpu.dma_semaphore, #tpu.memory_space<semaphore_mem>> -> memref<!tpu.dma_semaphore, #tpu.memory_space<semaphore_mem>>
    %dma_start3A_156 = arith.constant 0 : i32
    %dma_start3A_157 = tpu.memref_slice %arg4[%add3A_145, %dma_start3A_156] : memref<16384x512xf32, #tpu.memory_space<hbm>> -> memref<64x512xf32, #tpu.memory_space<hbm>>
    %dma_start3A_158 = arith.constant 0 : i32
    %dma_start3A_159 = arith.constant 0 : i32
    %dma_start3A_160 = tpu.memref_slice %arg6[%dma_start3A_146, %dma_start3A_158, %dma_start3A_159] : memref<3x64x512xf32, #tpu.memory_space<vmem>> -> memref<1x64x512xf32, #tpu.memory_space<vmem>>
    %dma_start3A_161 = tpu.memref_squeeze %dma_start3A_160 : memref<1x64x512xf32, #tpu.memory_space<vmem>> -> memref<64x512xf32, #tpu.memory_space<vmem>>
    tpu.enqueue_dma source(%dma_start3A_161 : memref<64x512xf32, #tpu.memory_space<vmem>>) target(%dma_start3A_157 : memref<64x512xf32, #tpu.memory_space<hbm>>) target_semaphore(%dma_start3A_155 : memref<!tpu.dma_semaphore, #tpu.memory_space<semaphore_mem>>)
    %dma_wait3A_162 = arith.constant 1 : i32
    %dma_wait3A_163 = arith.constant 1 : i32
    %dma_wait3A_164 = arith.constant 0 : i32
    %dma_wait3A_165 = arith.constant 0 : i32
    %dma_wait3A_166 = tpu.memref_slice %arg6[%dma_wait3A_162, %dma_wait3A_164, %dma_wait3A_165] : memref<3x64x512xf32, #tpu.memory_space<vmem>> -> memref<1x64x512xf32, #tpu.memory_space<vmem>>
    %dma_wait3A_167 = tpu.memref_squeeze %dma_wait3A_166 : memref<1x64x512xf32, #tpu.memory_space<vmem>> -> memref<64x512xf32, #tpu.memory_space<vmem>>
    %dma_wait3A_168 = arith.constant 0 : i32
    %dma_wait3A_169 = tpu.memref_slice %arg4[%add3A_85, %dma_wait3A_168] : memref<16384x512xf32, #tpu.memory_space<hbm>> -> memref<64x512xf32, #tpu.memory_space<hbm>>
    %dma_wait3A_170 = tpu.memref_slice %arg8[%dma_wait3A_163] : memref<3x!tpu.dma_semaphore, #tpu.memory_space<semaphore_mem>> -> memref<1x!tpu.dma_semaphore, #tpu.memory_space<semaphore_mem>>
    %dma_wait3A_171 = tpu.memref_squeeze %dma_wait3A_170 : memref<1x!tpu.dma_semaphore, #tpu.memory_space<semaphore_mem>> -> memref<!tpu.dma_semaphore, #tpu.memory_space<semaphore_mem>>
    %dma_wait3A_172 = arith.constant 0 : i32
    %dma_wait3A_173 = tpu.memref_slice %arg4[%add3A_85, %dma_wait3A_172] : memref<16384x512xf32, #tpu.memory_space<hbm>> -> memref<64x512xf32, #tpu.memory_space<hbm>>
    %dma_wait3A_174 = arith.constant 0 : i32
    %dma_wait3A_175 = arith.constant 0 : i32
    %dma_wait3A_176 = tpu.memref_slice %arg6[%dma_wait3A_162, %dma_wait3A_174, %dma_wait3A_175] : memref<3x64x512xf32, #tpu.memory_space<vmem>> -> memref<1x64x512xf32, #tpu.memory_space<vmem>>
    %dma_wait3A_177 = tpu.memref_squeeze %dma_wait3A_176 : memref<1x64x512xf32, #tpu.memory_space<vmem>> -> memref<64x512xf32, #tpu.memory_space<vmem>>
    tpu.wait_dma2 semaphore(%dma_wait3A_171 : memref<!tpu.dma_semaphore, #tpu.memory_space<semaphore_mem>>) src(%dma_wait3A_177 : memref<64x512xf32, #tpu.memory_space<vmem>>) dst(%dma_wait3A_173 : memref<64x512xf32, #tpu.memory_space<hbm>>)
    %dma_start3A_178 = arith.constant 1 : i32
    %dma_start3A_179 = arith.constant 1 : i32
    %dma_start3A_180 = arith.constant 0 : i32
    %dma_start3A_181 = arith.constant 0 : i32
    %dma_start3A_182 = tpu.memref_slice %arg6[%dma_start3A_178, %dma_start3A_180, %dma_start3A_181] : memref<3x64x512xf32, #tpu.memory_space<vmem>> -> memref<1x64x512xf32, #tpu.memory_space<vmem>>
    %dma_start3A_183 = tpu.memref_squeeze %dma_start3A_182 : memref<1x64x512xf32, #tpu.memory_space<vmem>> -> memref<64x512xf32, #tpu.memory_space<vmem>>
    %dma_start3A_184 = arith.constant 256 : i32
    %dma_start3A_185 = tpu.memref_slice %arg5[%dma_start3A_184] : memref<512xi32, #tpu.memory_space<vmem>> -> memref<64xi32, #tpu.memory_space<vmem>>
    %dma_start3A_186 = arith.constant 0 : i32
    %dma_start3A_187 = arith.constant 0 : i32
    %dma_start3A_188 = tpu.memref_slice %arg2[%dma_start3A_186, %dma_start3A_187] : memref<1024x512xf32, #tpu.memory_space<hbm>> -> memref<1024x512xf32, #tpu.memory_space<hbm>>
    %dma_start3A_189 = tpu.memref_slice %arg7[%dma_start3A_179] : memref<3x!tpu.dma_semaphore, #tpu.memory_space<semaphore_mem>> -> memref<1x!tpu.dma_semaphore, #tpu.memory_space<semaphore_mem>>
    %dma_start3A_190 = tpu.memref_squeeze %dma_start3A_189 : memref<1x!tpu.dma_semaphore, #tpu.memory_space<semaphore_mem>> -> memref<!tpu.dma_semaphore, #tpu.memory_space<semaphore_mem>>
    tpu.enqueue_indirect_dma source(%dma_start3A_188 : memref<1024x512xf32, #tpu.memory_space<hbm>>) target(%dma_start3A_183 : memref<64x512xf32, #tpu.memory_space<vmem>>) offsets(%dma_start3A_185 : memref<64xi32, #tpu.memory_space<vmem>>) semaphore(%dma_start3A_190 : memref<!tpu.dma_semaphore, #tpu.memory_space<semaphore_mem>>)
    %dma_wait3A_191 = arith.constant 0 : i32
    %dma_wait3A_192 = arith.constant 0 : i32
    %dma_wait3A_193 = arith.constant 0 : i32
    %dma_wait3A_194 = arith.constant 0 : i32
    %dma_wait3A_195 = tpu.memref_slice %arg6[%dma_wait3A_191, %dma_wait3A_193, %dma_wait3A_194] : memref<3x64x512xf32, #tpu.memory_space<vmem>> -> memref<1x64x512xf32, #tpu.memory_space<vmem>>
    %dma_wait3A_196 = tpu.memref_squeeze %dma_wait3A_195 : memref<1x64x512xf32, #tpu.memory_space<vmem>> -> memref<64x512xf32, #tpu.memory_space<vmem>>
    %dma_wait3A_197 = arith.constant 192 : i32
    %dma_wait3A_198 = tpu.memref_slice %arg5[%dma_wait3A_197] : memref<512xi32, #tpu.memory_space<vmem>> -> memref<64xi32, #tpu.memory_space<vmem>>
    %dma_wait3A_199 = arith.constant 0 : i32
    %dma_wait3A_200 = arith.constant 0 : i32
    %dma_wait3A_201 = tpu.memref_slice %arg2[%dma_wait3A_199, %dma_wait3A_200] : memref<1024x512xf32, #tpu.memory_space<hbm>> -> memref<1024x512xf32, #tpu.memory_space<hbm>>
    %dma_wait3A_202 = tpu.memref_slice %arg7[%dma_wait3A_192] : memref<3x!tpu.dma_semaphore, #tpu.memory_space<semaphore_mem>> -> memref<1x!tpu.dma_semaphore, #tpu.memory_space<semaphore_mem>>
    %dma_wait3A_203 = tpu.memref_squeeze %dma_wait3A_202 : memref<1x!tpu.dma_semaphore, #tpu.memory_space<semaphore_mem>> -> memref<!tpu.dma_semaphore, #tpu.memory_space<semaphore_mem>>
    tpu.wait_indirect_dma semaphore(%dma_wait3A_203 : memref<!tpu.dma_semaphore, #tpu.memory_space<semaphore_mem>>) src(%dma_wait3A_201 : memref<1024x512xf32, #tpu.memory_space<hbm>>) dst(%dma_wait3A_196 : memref<64x512xf32, #tpu.memory_space<vmem>>)
    %add3A_204 = arith.constant 192 : i32
    %add3A_205 = arith.addi %mul3A_2, %add3A_204 : i32
    %dma_start3A_206 = arith.constant 0 : i32
    %dma_start3A_207 = arith.constant 0 : i32
    %dma_start3A_208 = arith.constant 0 : i32
    %dma_start3A_209 = arith.constant 0 : i32
    %dma_start3A_210 = tpu.memref_slice %arg6[%dma_start3A_206, %dma_start3A_208, %dma_start3A_209] : memref<3x64x512xf32, #tpu.memory_space<vmem>> -> memref<1x64x512xf32, #tpu.memory_space<vmem>>
    %dma_start3A_211 = tpu.memref_squeeze %dma_start3A_210 : memref<1x64x512xf32, #tpu.memory_space<vmem>> -> memref<64x512xf32, #tpu.memory_space<vmem>>
    %dma_start3A_212 = arith.constant 0 : i32
    %dma_start3A_213 = tpu.memref_slice %arg4[%add3A_205, %dma_start3A_212] : memref<16384x512xf32, #tpu.memory_space<hbm>> -> memref<64x512xf32, #tpu.memory_space<hbm>>
    %dma_start3A_214 = tpu.memref_slice %arg8[%dma_start3A_207] : memref<3x!tpu.dma_semaphore, #tpu.memory_space<semaphore_mem>> -> memref<1x!tpu.dma_semaphore, #tpu.memory_space<semaphore_mem>>
    %dma_start3A_215 = tpu.memref_squeeze %dma_start3A_214 : memref<1x!tpu.dma_semaphore, #tpu.memory_space<semaphore_mem>> -> memref<!tpu.dma_semaphore, #tpu.memory_space<semaphore_mem>>
    %dma_start3A_216 = arith.constant 0 : i32
    %dma_start3A_217 = tpu.memref_slice %arg4[%add3A_205, %dma_start3A_216] : memref<16384x512xf32, #tpu.memory_space<hbm>> -> memref<64x512xf32, #tpu.memory_space<hbm>>
    %dma_start3A_218 = arith.constant 0 : i32
    %dma_start3A_219 = arith.constant 0 : i32
    %dma_start3A_220 = tpu.memref_slice %arg6[%dma_start3A_206, %dma_start3A_218, %dma_start3A_219] : memref<3x64x512xf32, #tpu.memory_space<vmem>> -> memref<1x64x512xf32, #tpu.memory_space<vmem>>
    %dma_start3A_221 = tpu.memref_squeeze %dma_start3A_220 : memref<1x64x512xf32, #tpu.memory_space<vmem>> -> memref<64x512xf32, #tpu.memory_space<vmem>>
    tpu.enqueue_dma source(%dma_start3A_221 : memref<64x512xf32, #tpu.memory_space<vmem>>) target(%dma_start3A_217 : memref<64x512xf32, #tpu.memory_space<hbm>>) target_semaphore(%dma_start3A_215 : memref<!tpu.dma_semaphore, #tpu.memory_space<semaphore_mem>>)
    %dma_wait3A_222 = arith.constant 2 : i32
    %dma_wait3A_223 = arith.constant 2 : i32
    %dma_wait3A_224 = arith.constant 0 : i32
    %dma_wait3A_225 = arith.constant 0 : i32
    %dma_wait3A_226 = tpu.memref_slice %arg6[%dma_wait3A_222, %dma_wait3A_224, %dma_wait3A_225] : memref<3x64x512xf32, #tpu.memory_space<vmem>> -> memref<1x64x512xf32, #tpu.memory_space<vmem>>
    %dma_wait3A_227 = tpu.memref_squeeze %dma_wait3A_226 : memref<1x64x512xf32, #tpu.memory_space<vmem>> -> memref<64x512xf32, #tpu.memory_space<vmem>>
    %dma_wait3A_228 = arith.constant 0 : i32
    %dma_wait3A_229 = tpu.memref_slice %arg4[%add3A_145, %dma_wait3A_228] : memref<16384x512xf32, #tpu.memory_space<hbm>> -> memref<64x512xf32, #tpu.memory_space<hbm>>
    %dma_wait3A_230 = tpu.memref_slice %arg8[%dma_wait3A_223] : memref<3x!tpu.dma_semaphore, #tpu.memory_space<semaphore_mem>> -> memref<1x!tpu.dma_semaphore, #tpu.memory_space<semaphore_mem>>
    %dma_wait3A_231 = tpu.memref_squeeze %dma_wait3A_230 : memref<1x!tpu.dma_semaphore, #tpu.memory_space<semaphore_mem>> -> memref<!tpu.dma_semaphore, #tpu.memory_space<semaphore_mem>>
    %dma_wait3A_232 = arith.constant 0 : i32
    %dma_wait3A_233 = tpu.memref_slice %arg4[%add3A_145, %dma_wait3A_232] : memref<16384x512xf32, #tpu.memory_space<hbm>> -> memref<64x512xf32, #tpu.memory_space<hbm>>
    %dma_wait3A_234 = arith.constant 0 : i32
    %dma_wait3A_235 = arith.constant 0 : i32
    %dma_wait3A_236 = tpu.memref_slice %arg6[%dma_wait3A_222, %dma_wait3A_234, %dma_wait3A_235] : memref<3x64x512xf32, #tpu.memory_space<vmem>> -> memref<1x64x512xf32, #tpu.memory_space<vmem>>
    %dma_wait3A_237 = tpu.memref_squeeze %dma_wait3A_236 : memref<1x64x512xf32, #tpu.memory_space<vmem>> -> memref<64x512xf32, #tpu.memory_space<vmem>>
    tpu.wait_dma2 semaphore(%dma_wait3A_231 : memref<!tpu.dma_semaphore, #tpu.memory_space<semaphore_mem>>) src(%dma_wait3A_237 : memref<64x512xf32, #tpu.memory_space<vmem>>) dst(%dma_wait3A_233 : memref<64x512xf32, #tpu.memory_space<hbm>>)
    %dma_start3A_238 = arith.constant 2 : i32
    %dma_start3A_239 = arith.constant 2 : i32
    %dma_start3A_240 = arith.constant 0 : i32
    %dma_start3A_241 = arith.constant 0 : i32
    %dma_start3A_242 = tpu.memref_slice %arg6[%dma_start3A_238, %dma_start3A_240, %dma_start3A_241] : memref<3x64x512xf32, #tpu.memory_space<vmem>> -> memref<1x64x512xf32, #tpu.memory_space<vmem>>
    %dma_start3A_243 = tpu.memref_squeeze %dma_start3A_242 : memref<1x64x512xf32, #tpu.memory_space<vmem>> -> memref<64x512xf32, #tpu.memory_space<vmem>>
    %dma_start3A_244 = arith.constant 320 : i32
    %dma_start3A_245 = tpu.memref_slice %arg5[%dma_start3A_244] : memref<512xi32, #tpu.memory_space<vmem>> -> memref<64xi32, #tpu.memory_space<vmem>>
    %dma_start3A_246 = arith.constant 0 : i32
    %dma_start3A_247 = arith.constant 0 : i32
    %dma_start3A_248 = tpu.memref_slice %arg2[%dma_start3A_246, %dma_start3A_247] : memref<1024x512xf32, #tpu.memory_space<hbm>> -> memref<1024x512xf32, #tpu.memory_space<hbm>>
    %dma_start3A_249 = tpu.memref_slice %arg7[%dma_start3A_239] : memref<3x!tpu.dma_semaphore, #tpu.memory_space<semaphore_mem>> -> memref<1x!tpu.dma_semaphore, #tpu.memory_space<semaphore_mem>>
    %dma_start3A_250 = tpu.memref_squeeze %dma_start3A_249 : memref<1x!tpu.dma_semaphore, #tpu.memory_space<semaphore_mem>> -> memref<!tpu.dma_semaphore, #tpu.memory_space<semaphore_mem>>
    tpu.enqueue_indirect_dma source(%dma_start3A_248 : memref<1024x512xf32, #tpu.memory_space<hbm>>) target(%dma_start3A_243 : memref<64x512xf32, #tpu.memory_space<vmem>>) offsets(%dma_start3A_245 : memref<64xi32, #tpu.memory_space<vmem>>) semaphore(%dma_start3A_250 : memref<!tpu.dma_semaphore, #tpu.memory_space<semaphore_mem>>)
    %dma_wait3A_251 = arith.constant 1 : i32
    %dma_wait3A_252 = arith.constant 1 : i32
    %dma_wait3A_253 = arith.constant 0 : i32
    %dma_wait3A_254 = arith.constant 0 : i32
    %dma_wait3A_255 = tpu.memref_slice %arg6[%dma_wait3A_251, %dma_wait3A_253, %dma_wait3A_254] : memref<3x64x512xf32, #tpu.memory_space<vmem>> -> memref<1x64x512xf32, #tpu.memory_space<vmem>>
    %dma_wait3A_256 = tpu.memref_squeeze %dma_wait3A_255 : memref<1x64x512xf32, #tpu.memory_space<vmem>> -> memref<64x512xf32, #tpu.memory_space<vmem>>
    %dma_wait3A_257 = arith.constant 256 : i32
    %dma_wait3A_258 = tpu.memref_slice %arg5[%dma_wait3A_257] : memref<512xi32, #tpu.memory_space<vmem>> -> memref<64xi32, #tpu.memory_space<vmem>>
    %dma_wait3A_259 = arith.constant 0 : i32
    %dma_wait3A_260 = arith.constant 0 : i32
    %dma_wait3A_261 = tpu.memref_slice %arg2[%dma_wait3A_259, %dma_wait3A_260] : memref<1024x512xf32, #tpu.memory_space<hbm>> -> memref<1024x512xf32, #tpu.memory_space<hbm>>
    %dma_wait3A_262 = tpu.memref_slice %arg7[%dma_wait3A_252] : memref<3x!tpu.dma_semaphore, #tpu.memory_space<semaphore_mem>> -> memref<1x!tpu.dma_semaphore, #tpu.memory_space<semaphore_mem>>
    %dma_wait3A_263 = tpu.memref_squeeze %dma_wait3A_262 : memref<1x!tpu.dma_semaphore, #tpu.memory_space<semaphore_mem>> -> memref<!tpu.dma_semaphore, #tpu.memory_space<semaphore_mem>>
    tpu.wait_indirect_dma semaphore(%dma_wait3A_263 : memref<!tpu.dma_semaphore, #tpu.memory_space<semaphore_mem>>) src(%dma_wait3A_261 : memref<1024x512xf32, #tpu.memory_space<hbm>>) dst(%dma_wait3A_256 : memref<64x512xf32, #tpu.memory_space<vmem>>)
    %add3A_264 = arith.constant 256 : i32
    %add3A_265 = arith.addi %mul3A_2, %add3A_264 : i32
    %dma_start3A_266 = arith.constant 1 : i32
    %dma_start3A_267 = arith.constant 1 : i32
    %dma_start3A_268 = arith.constant 0 : i32
    %dma_start3A_269 = arith.constant 0 : i32
    %dma_start3A_270 = tpu.memref_slice %arg6[%dma_start3A_266, %dma_start3A_268, %dma_start3A_269] : memref<3x64x512xf32, #tpu.memory_space<vmem>> -> memref<1x64x512xf32, #tpu.memory_space<vmem>>
    %dma_start3A_271 = tpu.memref_squeeze %dma_start3A_270 : memref<1x64x512xf32, #tpu.memory_space<vmem>> -> memref<64x512xf32, #tpu.memory_space<vmem>>
    %dma_start3A_272 = arith.constant 0 : i32
    %dma_start3A_273 = tpu.memref_slice %arg4[%add3A_265, %dma_start3A_272] : memref<16384x512xf32, #tpu.memory_space<hbm>> -> memref<64x512xf32, #tpu.memory_space<hbm>>
    %dma_start3A_274 = tpu.memref_slice %arg8[%dma_start3A_267] : memref<3x!tpu.dma_semaphore, #tpu.memory_space<semaphore_mem>> -> memref<1x!tpu.dma_semaphore, #tpu.memory_space<semaphore_mem>>
    %dma_start3A_275 = tpu.memref_squeeze %dma_start3A_274 : memref<1x!tpu.dma_semaphore, #tpu.memory_space<semaphore_mem>> -> memref<!tpu.dma_semaphore, #tpu.memory_space<semaphore_mem>>
    %dma_start3A_276 = arith.constant 0 : i32
    %dma_start3A_277 = tpu.memref_slice %arg4[%add3A_265, %dma_start3A_276] : memref<16384x512xf32, #tpu.memory_space<hbm>> -> memref<64x512xf32, #tpu.memory_space<hbm>>
    %dma_start3A_278 = arith.constant 0 : i32
    %dma_start3A_279 = arith.constant 0 : i32
    %dma_start3A_280 = tpu.memref_slice %arg6[%dma_start3A_266, %dma_start3A_278, %dma_start3A_279] : memref<3x64x512xf32, #tpu.memory_space<vmem>> -> memref<1x64x512xf32, #tpu.memory_space<vmem>>
    %dma_start3A_281 = tpu.memref_squeeze %dma_start3A_280 : memref<1x64x512xf32, #tpu.memory_space<vmem>> -> memref<64x512xf32, #tpu.memory_space<vmem>>
    tpu.enqueue_dma source(%dma_start3A_281 : memref<64x512xf32, #tpu.memory_space<vmem>>) target(%dma_start3A_277 : memref<64x512xf32, #tpu.memory_space<hbm>>) target_semaphore(%dma_start3A_275 : memref<!tpu.dma_semaphore, #tpu.memory_space<semaphore_mem>>)
    %dma_wait3A_282 = arith.constant 0 : i32
    %dma_wait3A_283 = arith.constant 0 : i32
    %dma_wait3A_284 = arith.constant 0 : i32
    %dma_wait3A_285 = arith.constant 0 : i32
    %dma_wait3A_286 = tpu.memref_slice %arg6[%dma_wait3A_282, %dma_wait3A_284, %dma_wait3A_285] : memref<3x64x512xf32, #tpu.memory_space<vmem>> -> memref<1x64x512xf32, #tpu.memory_space<vmem>>
    %dma_wait3A_287 = tpu.memref_squeeze %dma_wait3A_286 : memref<1x64x512xf32, #tpu.memory_space<vmem>> -> memref<64x512xf32, #tpu.memory_space<vmem>>
    %dma_wait3A_288 = arith.constant 0 : i32
    %dma_wait3A_289 = tpu.memref_slice %arg4[%add3A_205, %dma_wait3A_288] : memref<16384x512xf32, #tpu.memory_space<hbm>> -> memref<64x512xf32, #tpu.memory_space<hbm>>
    %dma_wait3A_290 = tpu.memref_slice %arg8[%dma_wait3A_283] : memref<3x!tpu.dma_semaphore, #tpu.memory_space<semaphore_mem>> -> memref<1x!tpu.dma_semaphore, #tpu.memory_space<semaphore_mem>>
    %dma_wait3A_291 = tpu.memref_squeeze %dma_wait3A_290 : memref<1x!tpu.dma_semaphore, #tpu.memory_space<semaphore_mem>> -> memref<!tpu.dma_semaphore, #tpu.memory_space<semaphore_mem>>
    %dma_wait3A_292 = arith.constant 0 : i32
    %dma_wait3A_293 = tpu.memref_slice %arg4[%add3A_205, %dma_wait3A_292] : memref<16384x512xf32, #tpu.memory_space<hbm>> -> memref<64x512xf32, #tpu.memory_space<hbm>>
    %dma_wait3A_294 = arith.constant 0 : i32
    %dma_wait3A_295 = arith.constant 0 : i32
    %dma_wait3A_296 = tpu.memref_slice %arg6[%dma_wait3A_282, %dma_wait3A_294, %dma_wait3A_295] : memref<3x64x512xf32, #tpu.memory_space<vmem>> -> memref<1x64x512xf32, #tpu.memory_space<vmem>>
    %dma_wait3A_297 = tpu.memref_squeeze %dma_wait3A_296 : memref<1x64x512xf32, #tpu.memory_space<vmem>> -> memref<64x512xf32, #tpu.memory_space<vmem>>
    tpu.wait_dma2 semaphore(%dma_wait3A_291 : memref<!tpu.dma_semaphore, #tpu.memory_space<semaphore_mem>>) src(%dma_wait3A_297 : memref<64x512xf32, #tpu.memory_space<vmem>>) dst(%dma_wait3A_293 : memref<64x512xf32, #tpu.memory_space<hbm>>)
    %dma_start3A_298 = arith.constant 0 : i32
    %dma_start3A_299 = arith.constant 0 : i32
    %dma_start3A_300 = arith.constant 0 : i32
    %dma_start3A_301 = arith.constant 0 : i32
    %dma_start3A_302 = tpu.memref_slice %arg6[%dma_start3A_298, %dma_start3A_300, %dma_start3A_301] : memref<3x64x512xf32, #tpu.memory_space<vmem>> -> memref<1x64x512xf32, #tpu.memory_space<vmem>>
    %dma_start3A_303 = tpu.memref_squeeze %dma_start3A_302 : memref<1x64x512xf32, #tpu.memory_space<vmem>> -> memref<64x512xf32, #tpu.memory_space<vmem>>
    %dma_start3A_304 = arith.constant 384 : i32
    %dma_start3A_305 = tpu.memref_slice %arg5[%dma_start3A_304] : memref<512xi32, #tpu.memory_space<vmem>> -> memref<64xi32, #tpu.memory_space<vmem>>
    %dma_start3A_306 = arith.constant 0 : i32
    %dma_start3A_307 = arith.constant 0 : i32
    %dma_start3A_308 = tpu.memref_slice %arg2[%dma_start3A_306, %dma_start3A_307] : memref<1024x512xf32, #tpu.memory_space<hbm>> -> memref<1024x512xf32, #tpu.memory_space<hbm>>
    %dma_start3A_309 = tpu.memref_slice %arg7[%dma_start3A_299] : memref<3x!tpu.dma_semaphore, #tpu.memory_space<semaphore_mem>> -> memref<1x!tpu.dma_semaphore, #tpu.memory_space<semaphore_mem>>
    %dma_start3A_310 = tpu.memref_squeeze %dma_start3A_309 : memref<1x!tpu.dma_semaphore, #tpu.memory_space<semaphore_mem>> -> memref<!tpu.dma_semaphore, #tpu.memory_space<semaphore_mem>>
    tpu.enqueue_indirect_dma source(%dma_start3A_308 : memref<1024x512xf32, #tpu.memory_space<hbm>>) target(%dma_start3A_303 : memref<64x512xf32, #tpu.memory_space<vmem>>) offsets(%dma_start3A_305 : memref<64xi32, #tpu.memory_space<vmem>>) semaphore(%dma_start3A_310 : memref<!tpu.dma_semaphore, #tpu.memory_space<semaphore_mem>>)
    %dma_wait3A_311 = arith.constant 2 : i32
    %dma_wait3A_312 = arith.constant 2 : i32
    %dma_wait3A_313 = arith.constant 0 : i32
    %dma_wait3A_314 = arith.constant 0 : i32
    %dma_wait3A_315 = tpu.memref_slice %arg6[%dma_wait3A_311, %dma_wait3A_313, %dma_wait3A_314] : memref<3x64x512xf32, #tpu.memory_space<vmem>> -> memref<1x64x512xf32, #tpu.memory_space<vmem>>
    %dma_wait3A_316 = tpu.memref_squeeze %dma_wait3A_315 : memref<1x64x512xf32, #tpu.memory_space<vmem>> -> memref<64x512xf32, #tpu.memory_space<vmem>>
    %dma_wait3A_317 = arith.constant 320 : i32
    %dma_wait3A_318 = tpu.memref_slice %arg5[%dma_wait3A_317] : memref<512xi32, #tpu.memory_space<vmem>> -> memref<64xi32, #tpu.memory_space<vmem>>
    %dma_wait3A_319 = arith.constant 0 : i32
    %dma_wait3A_320 = arith.constant 0 : i32
    %dma_wait3A_321 = tpu.memref_slice %arg2[%dma_wait3A_319, %dma_wait3A_320] : memref<1024x512xf32, #tpu.memory_space<hbm>> -> memref<1024x512xf32, #tpu.memory_space<hbm>>
    %dma_wait3A_322 = tpu.memref_slice %arg7[%dma_wait3A_312] : memref<3x!tpu.dma_semaphore, #tpu.memory_space<semaphore_mem>> -> memref<1x!tpu.dma_semaphore, #tpu.memory_space<semaphore_mem>>
    %dma_wait3A_323 = tpu.memref_squeeze %dma_wait3A_322 : memref<1x!tpu.dma_semaphore, #tpu.memory_space<semaphore_mem>> -> memref<!tpu.dma_semaphore, #tpu.memory_space<semaphore_mem>>
    tpu.wait_indirect_dma semaphore(%dma_wait3A_323 : memref<!tpu.dma_semaphore, #tpu.memory_space<semaphore_mem>>) src(%dma_wait3A_321 : memref<1024x512xf32, #tpu.memory_space<hbm>>) dst(%dma_wait3A_316 : memref<64x512xf32, #tpu.memory_space<vmem>>)
    %add3A_324 = arith.constant 320 : i32
    %add3A_325 = arith.addi %mul3A_2, %add3A_324 : i32
    %dma_start3A_326 = arith.constant 2 : i32
    %dma_start3A_327 = arith.constant 2 : i32
    %dma_start3A_328 = arith.constant 0 : i32
    %dma_start3A_329 = arith.constant 0 : i32
    %dma_start3A_330 = tpu.memref_slice %arg6[%dma_start3A_326, %dma_start3A_328, %dma_start3A_329] : memref<3x64x512xf32, #tpu.memory_space<vmem>> -> memref<1x64x512xf32, #tpu.memory_space<vmem>>
    %dma_start3A_331 = tpu.memref_squeeze %dma_start3A_330 : memref<1x64x512xf32, #tpu.memory_space<vmem>> -> memref<64x512xf32, #tpu.memory_space<vmem>>
    %dma_start3A_332 = arith.constant 0 : i32
    %dma_start3A_333 = tpu.memref_slice %arg4[%add3A_325, %dma_start3A_332] : memref<16384x512xf32, #tpu.memory_space<hbm>> -> memref<64x512xf32, #tpu.memory_space<hbm>>
    %dma_start3A_334 = tpu.memref_slice %arg8[%dma_start3A_327] : memref<3x!tpu.dma_semaphore, #tpu.memory_space<semaphore_mem>> -> memref<1x!tpu.dma_semaphore, #tpu.memory_space<semaphore_mem>>
    %dma_start3A_335 = tpu.memref_squeeze %dma_start3A_334 : memref<1x!tpu.dma_semaphore, #tpu.memory_space<semaphore_mem>> -> memref<!tpu.dma_semaphore, #tpu.memory_space<semaphore_mem>>
    %dma_start3A_336 = arith.constant 0 : i32
    %dma_start3A_337 = tpu.memref_slice %arg4[%add3A_325, %dma_start3A_336] : memref<16384x512xf32, #tpu.memory_space<hbm>> -> memref<64x512xf32, #tpu.memory_space<hbm>>
    %dma_start3A_338 = arith.constant 0 : i32
    %dma_start3A_339 = arith.constant 0 : i32
    %dma_start3A_340 = tpu.memref_slice %arg6[%dma_start3A_326, %dma_start3A_338, %dma_start3A_339] : memref<3x64x512xf32, #tpu.memory_space<vmem>> -> memref<1x64x512xf32, #tpu.memory_space<vmem>>
    %dma_start3A_341 = tpu.memref_squeeze %dma_start3A_340 : memref<1x64x512xf32, #tpu.memory_space<vmem>> -> memref<64x512xf32, #tpu.memory_space<vmem>>
    tpu.enqueue_dma source(%dma_start3A_341 : memref<64x512xf32, #tpu.memory_space<vmem>>) target(%dma_start3A_337 : memref<64x512xf32, #tpu.memory_space<hbm>>) target_semaphore(%dma_start3A_335 : memref<!tpu.dma_semaphore, #tpu.memory_space<semaphore_mem>>)
    %dma_wait3A_342 = arith.constant 1 : i32
    %dma_wait3A_343 = arith.constant 1 : i32
    %dma_wait3A_344 = arith.constant 0 : i32
    %dma_wait3A_345 = arith.constant 0 : i32
    %dma_wait3A_346 = tpu.memref_slice %arg6[%dma_wait3A_342, %dma_wait3A_344, %dma_wait3A_345] : memref<3x64x512xf32, #tpu.memory_space<vmem>> -> memref<1x64x512xf32, #tpu.memory_space<vmem>>
    %dma_wait3A_347 = tpu.memref_squeeze %dma_wait3A_346 : memref<1x64x512xf32, #tpu.memory_space<vmem>> -> memref<64x512xf32, #tpu.memory_space<vmem>>
    %dma_wait3A_348 = arith.constant 0 : i32
    %dma_wait3A_349 = tpu.memref_slice %arg4[%add3A_265, %dma_wait3A_348] : memref<16384x512xf32, #tpu.memory_space<hbm>> -> memref<64x512xf32, #tpu.memory_space<hbm>>
    %dma_wait3A_350 = tpu.memref_slice %arg8[%dma_wait3A_343] : memref<3x!tpu.dma_semaphore, #tpu.memory_space<semaphore_mem>> -> memref<1x!tpu.dma_semaphore, #tpu.memory_space<semaphore_mem>>
    %dma_wait3A_351 = tpu.memref_squeeze %dma_wait3A_350 : memref<1x!tpu.dma_semaphore, #tpu.memory_space<semaphore_mem>> -> memref<!tpu.dma_semaphore, #tpu.memory_space<semaphore_mem>>
    %dma_wait3A_352 = arith.constant 0 : i32
    %dma_wait3A_353 = tpu.memref_slice %arg4[%add3A_265, %dma_wait3A_352] : memref<16384x512xf32, #tpu.memory_space<hbm>> -> memref<64x512xf32, #tpu.memory_space<hbm>>
    %dma_wait3A_354 = arith.constant 0 : i32
    %dma_wait3A_355 = arith.constant 0 : i32
    %dma_wait3A_356 = tpu.memref_slice %arg6[%dma_wait3A_342, %dma_wait3A_354, %dma_wait3A_355] : memref<3x64x512xf32, #tpu.memory_space<vmem>> -> memref<1x64x512xf32, #tpu.memory_space<vmem>>
    %dma_wait3A_357 = tpu.memref_squeeze %dma_wait3A_356 : memref<1x64x512xf32, #tpu.memory_space<vmem>> -> memref<64x512xf32, #tpu.memory_space<vmem>>
    tpu.wait_dma2 semaphore(%dma_wait3A_351 : memref<!tpu.dma_semaphore, #tpu.memory_space<semaphore_mem>>) src(%dma_wait3A_357 : memref<64x512xf32, #tpu.memory_space<vmem>>) dst(%dma_wait3A_353 : memref<64x512xf32, #tpu.memory_space<hbm>>)
    %dma_start3A_358 = arith.constant 1 : i32
    %dma_start3A_359 = arith.constant 1 : i32
    %dma_start3A_360 = arith.constant 0 : i32
    %dma_start3A_361 = arith.constant 0 : i32
    %dma_start3A_362 = tpu.memref_slice %arg6[%dma_start3A_358, %dma_start3A_360, %dma_start3A_361] : memref<3x64x512xf32, #tpu.memory_space<vmem>> -> memref<1x64x512xf32, #tpu.memory_space<vmem>>
    %dma_start3A_363 = tpu.memref_squeeze %dma_start3A_362 : memref<1x64x512xf32, #tpu.memory_space<vmem>> -> memref<64x512xf32, #tpu.memory_space<vmem>>
    %dma_start3A_364 = arith.constant 448 : i32
    %dma_start3A_365 = tpu.memref_slice %arg5[%dma_start3A_364] : memref<512xi32, #tpu.memory_space<vmem>> -> memref<64xi32, #tpu.memory_space<vmem>>
    %dma_start3A_366 = arith.constant 0 : i32
    %dma_start3A_367 = arith.constant 0 : i32
    %dma_start3A_368 = tpu.memref_slice %arg2[%dma_start3A_366, %dma_start3A_367] : memref<1024x512xf32, #tpu.memory_space<hbm>> -> memref<1024x512xf32, #tpu.memory_space<hbm>>
    %dma_start3A_369 = tpu.memref_slice %arg7[%dma_start3A_359] : memref<3x!tpu.dma_semaphore, #tpu.memory_space<semaphore_mem>> -> memref<1x!tpu.dma_semaphore, #tpu.memory_space<semaphore_mem>>
    %dma_start3A_370 = tpu.memref_squeeze %dma_start3A_369 : memref<1x!tpu.dma_semaphore, #tpu.memory_space<semaphore_mem>> -> memref<!tpu.dma_semaphore, #tpu.memory_space<semaphore_mem>>
    tpu.enqueue_indirect_dma source(%dma_start3A_368 : memref<1024x512xf32, #tpu.memory_space<hbm>>) target(%dma_start3A_363 : memref<64x512xf32, #tpu.memory_space<vmem>>) offsets(%dma_start3A_365 : memref<64xi32, #tpu.memory_space<vmem>>) semaphore(%dma_start3A_370 : memref<!tpu.dma_semaphore, #tpu.memory_space<semaphore_mem>>)
    %dma_wait3A_371 = arith.constant 0 : i32
    %dma_wait3A_372 = arith.constant 0 : i32
    %dma_wait3A_373 = arith.constant 0 : i32
    %dma_wait3A_374 = arith.constant 0 : i32
    %dma_wait3A_375 = tpu.memref_slice %arg6[%dma_wait3A_371, %dma_wait3A_373, %dma_wait3A_374] : memref<3x64x512xf32, #tpu.memory_space<vmem>> -> memref<1x64x512xf32, #tpu.memory_space<vmem>>
    %dma_wait3A_376 = tpu.memref_squeeze %dma_wait3A_375 : memref<1x64x512xf32, #tpu.memory_space<vmem>> -> memref<64x512xf32, #tpu.memory_space<vmem>>
    %dma_wait3A_377 = arith.constant 384 : i32
    %dma_wait3A_378 = tpu.memref_slice %arg5[%dma_wait3A_377] : memref<512xi32, #tpu.memory_space<vmem>> -> memref<64xi32, #tpu.memory_space<vmem>>
    %dma_wait3A_379 = arith.constant 0 : i32
    %dma_wait3A_380 = arith.constant 0 : i32
    %dma_wait3A_381 = tpu.memref_slice %arg2[%dma_wait3A_379, %dma_wait3A_380] : memref<1024x512xf32, #tpu.memory_space<hbm>> -> memref<1024x512xf32, #tpu.memory_space<hbm>>
    %dma_wait3A_382 = tpu.memref_slice %arg7[%dma_wait3A_372] : memref<3x!tpu.dma_semaphore, #tpu.memory_space<semaphore_mem>> -> memref<1x!tpu.dma_semaphore, #tpu.memory_space<semaphore_mem>>
    %dma_wait3A_383 = tpu.memref_squeeze %dma_wait3A_382 : memref<1x!tpu.dma_semaphore, #tpu.memory_space<semaphore_mem>> -> memref<!tpu.dma_semaphore, #tpu.memory_space<semaphore_mem>>
    tpu.wait_indirect_dma semaphore(%dma_wait3A_383 : memref<!tpu.dma_semaphore, #tpu.memory_space<semaphore_mem>>) src(%dma_wait3A_381 : memref<1024x512xf32, #tpu.memory_space<hbm>>) dst(%dma_wait3A_376 : memref<64x512xf32, #tpu.memory_space<vmem>>)
    %add3A_384 = arith.constant 384 : i32
    %add3A_385 = arith.addi %mul3A_2, %add3A_384 : i32
    %dma_start3A_386 = arith.constant 0 : i32
    %dma_start3A_387 = arith.constant 0 : i32
    %dma_start3A_388 = arith.constant 0 : i32
    %dma_start3A_389 = arith.constant 0 : i32
    %dma_start3A_390 = tpu.memref_slice %arg6[%dma_start3A_386, %dma_start3A_388, %dma_start3A_389] : memref<3x64x512xf32, #tpu.memory_space<vmem>> -> memref<1x64x512xf32, #tpu.memory_space<vmem>>
    %dma_start3A_391 = tpu.memref_squeeze %dma_start3A_390 : memref<1x64x512xf32, #tpu.memory_space<vmem>> -> memref<64x512xf32, #tpu.memory_space<vmem>>
    %dma_start3A_392 = arith.constant 0 : i32
    %dma_start3A_393 = tpu.memref_slice %arg4[%add3A_385, %dma_start3A_392] : memref<16384x512xf32, #tpu.memory_space<hbm>> -> memref<64x512xf32, #tpu.memory_space<hbm>>
    %dma_start3A_394 = tpu.memref_slice %arg8[%dma_start3A_387] : memref<3x!tpu.dma_semaphore, #tpu.memory_space<semaphore_mem>> -> memref<1x!tpu.dma_semaphore, #tpu.memory_space<semaphore_mem>>
    %dma_start3A_395 = tpu.memref_squeeze %dma_start3A_394 : memref<1x!tpu.dma_semaphore, #tpu.memory_space<semaphore_mem>> -> memref<!tpu.dma_semaphore, #tpu.memory_space<semaphore_mem>>
    %dma_start3A_396 = arith.constant 0 : i32
    %dma_start3A_397 = tpu.memref_slice %arg4[%add3A_385, %dma_start3A_396] : memref<16384x512xf32, #tpu.memory_space<hbm>> -> memref<64x512xf32, #tpu.memory_space<hbm>>
    %dma_start3A_398 = arith.constant 0 : i32
    %dma_start3A_399 = arith.constant 0 : i32
    %dma_start3A_400 = tpu.memref_slice %arg6[%dma_start3A_386, %dma_start3A_398, %dma_start3A_399] : memref<3x64x512xf32, #tpu.memory_space<vmem>> -> memref<1x64x512xf32, #tpu.memory_space<vmem>>
    %dma_start3A_401 = tpu.memref_squeeze %dma_start3A_400 : memref<1x64x512xf32, #tpu.memory_space<vmem>> -> memref<64x512xf32, #tpu.memory_space<vmem>>
    tpu.enqueue_dma source(%dma_start3A_401 : memref<64x512xf32, #tpu.memory_space<vmem>>) target(%dma_start3A_397 : memref<64x512xf32, #tpu.memory_space<hbm>>) target_semaphore(%dma_start3A_395 : memref<!tpu.dma_semaphore, #tpu.memory_space<semaphore_mem>>)
    %dma_wait3A_402 = arith.constant 1 : i32
    %dma_wait3A_403 = arith.constant 1 : i32
    %dma_wait3A_404 = arith.constant 0 : i32
    %dma_wait3A_405 = arith.constant 0 : i32
    %dma_wait3A_406 = tpu.memref_slice %arg6[%dma_wait3A_402, %dma_wait3A_404, %dma_wait3A_405] : memref<3x64x512xf32, #tpu.memory_space<vmem>> -> memref<1x64x512xf32, #tpu.memory_space<vmem>>
    %dma_wait3A_407 = tpu.memref_squeeze %dma_wait3A_406 : memref<1x64x512xf32, #tpu.memory_space<vmem>> -> memref<64x512xf32, #tpu.memory_space<vmem>>
    %dma_wait3A_408 = arith.constant 448 : i32
    %dma_wait3A_409 = tpu.memref_slice %arg5[%dma_wait3A_408] : memref<512xi32, #tpu.memory_space<vmem>> -> memref<64xi32, #tpu.memory_space<vmem>>
    %dma_wait3A_410 = arith.constant 0 : i32
    %dma_wait3A_411 = arith.constant 0 : i32
    %dma_wait3A_412 = tpu.memref_slice %arg2[%dma_wait3A_410, %dma_wait3A_411] : memref<1024x512xf32, #tpu.memory_space<hbm>> -> memref<1024x512xf32, #tpu.memory_space<hbm>>
    %dma_wait3A_413 = tpu.memref_slice %arg7[%dma_wait3A_403] : memref<3x!tpu.dma_semaphore, #tpu.memory_space<semaphore_mem>> -> memref<1x!tpu.dma_semaphore, #tpu.memory_space<semaphore_mem>>
    %dma_wait3A_414 = tpu.memref_squeeze %dma_wait3A_413 : memref<1x!tpu.dma_semaphore, #tpu.memory_space<semaphore_mem>> -> memref<!tpu.dma_semaphore, #tpu.memory_space<semaphore_mem>>
    tpu.wait_indirect_dma semaphore(%dma_wait3A_414 : memref<!tpu.dma_semaphore, #tpu.memory_space<semaphore_mem>>) src(%dma_wait3A_412 : memref<1024x512xf32, #tpu.memory_space<hbm>>) dst(%dma_wait3A_407 : memref<64x512xf32, #tpu.memory_space<vmem>>)
    %add3A_415 = arith.constant 448 : i32
    %add3A_416 = arith.addi %mul3A_2, %add3A_415 : i32
    %dma_start3A_417 = arith.constant 1 : i32
    %dma_start3A_418 = arith.constant 1 : i32
    %dma_start3A_419 = arith.constant 0 : i32
    %dma_start3A_420 = arith.constant 0 : i32
    %dma_start3A_421 = tpu.memref_slice %arg6[%dma_start3A_417, %dma_start3A_419, %dma_start3A_420] : memref<3x64x512xf32, #tpu.memory_space<vmem>> -> memref<1x64x512xf32, #tpu.memory_space<vmem>>
    %dma_start3A_422 = tpu.memref_squeeze %dma_start3A_421 : memref<1x64x512xf32, #tpu.memory_space<vmem>> -> memref<64x512xf32, #tpu.memory_space<vmem>>
    %dma_start3A_423 = arith.constant 0 : i32
    %dma_start3A_424 = tpu.memref_slice %arg4[%add3A_416, %dma_start3A_423] : memref<16384x512xf32, #tpu.memory_space<hbm>> -> memref<64x512xf32, #tpu.memory_space<hbm>>
    %dma_start3A_425 = tpu.memref_slice %arg8[%dma_start3A_418] : memref<3x!tpu.dma_semaphore, #tpu.memory_space<semaphore_mem>> -> memref<1x!tpu.dma_semaphore, #tpu.memory_space<semaphore_mem>>
    %dma_start3A_426 = tpu.memref_squeeze %dma_start3A_425 : memref<1x!tpu.dma_semaphore, #tpu.memory_space<semaphore_mem>> -> memref<!tpu.dma_semaphore, #tpu.memory_space<semaphore_mem>>
    %dma_start3A_427 = arith.constant 0 : i32
    %dma_start3A_428 = tpu.memref_slice %arg4[%add3A_416, %dma_start3A_427] : memref<16384x512xf32, #tpu.memory_space<hbm>> -> memref<64x512xf32, #tpu.memory_space<hbm>>
    %dma_start3A_429 = arith.constant 0 : i32
    %dma_start3A_430 = arith.constant 0 : i32
    %dma_start3A_431 = tpu.memref_slice %arg6[%dma_start3A_417, %dma_start3A_429, %dma_start3A_430] : memref<3x64x512xf32, #tpu.memory_space<vmem>> -> memref<1x64x512xf32, #tpu.memory_space<vmem>>
    %dma_start3A_432 = tpu.memref_squeeze %dma_start3A_431 : memref<1x64x512xf32, #tpu.memory_space<vmem>> -> memref<64x512xf32, #tpu.memory_space<vmem>>
    tpu.enqueue_dma source(%dma_start3A_432 : memref<64x512xf32, #tpu.memory_space<vmem>>) target(%dma_start3A_428 : memref<64x512xf32, #tpu.memory_space<hbm>>) target_semaphore(%dma_start3A_426 : memref<!tpu.dma_semaphore, #tpu.memory_space<semaphore_mem>>)
    %dma_wait3A_433 = arith.constant 2 : i32
    %dma_wait3A_434 = arith.constant 2 : i32
    %dma_wait3A_435 = arith.constant 0 : i32
    %dma_wait3A_436 = arith.constant 0 : i32
    %dma_wait3A_437 = tpu.memref_slice %arg6[%dma_wait3A_433, %dma_wait3A_435, %dma_wait3A_436] : memref<3x64x512xf32, #tpu.memory_space<vmem>> -> memref<1x64x512xf32, #tpu.memory_space<vmem>>
    %dma_wait3A_438 = tpu.memref_squeeze %dma_wait3A_437 : memref<1x64x512xf32, #tpu.memory_space<vmem>> -> memref<64x512xf32, #tpu.memory_space<vmem>>
    %dma_wait3A_439 = arith.constant 0 : i32
    %dma_wait3A_440 = tpu.memref_slice %arg4[%add3A_325, %dma_wait3A_439] : memref<16384x512xf32, #tpu.memory_space<hbm>> -> memref<64x512xf32, #tpu.memory_space<hbm>>
    %dma_wait3A_441 = tpu.memref_slice %arg8[%dma_wait3A_434] : memref<3x!tpu.dma_semaphore, #tpu.memory_space<semaphore_mem>> -> memref<1x!tpu.dma_semaphore, #tpu.memory_space<semaphore_mem>>
    %dma_wait3A_442 = tpu.memref_squeeze %dma_wait3A_441 : memref<1x!tpu.dma_semaphore, #tpu.memory_space<semaphore_mem>> -> memref<!tpu.dma_semaphore, #tpu.memory_space<semaphore_mem>>
    %dma_wait3A_443 = arith.constant 0 : i32
    %dma_wait3A_444 = tpu.memref_slice %arg4[%add3A_325, %dma_wait3A_443] : memref<16384x512xf32, #tpu.memory_space<hbm>> -> memref<64x512xf32, #tpu.memory_space<hbm>>
    %dma_wait3A_445 = arith.constant 0 : i32
    %dma_wait3A_446 = arith.constant 0 : i32
    %dma_wait3A_447 = tpu.memref_slice %arg6[%dma_wait3A_433, %dma_wait3A_445, %dma_wait3A_446] : memref<3x64x512xf32, #tpu.memory_space<vmem>> -> memref<1x64x512xf32, #tpu.memory_space<vmem>>
    %dma_wait3A_448 = tpu.memref_squeeze %dma_wait3A_447 : memref<1x64x512xf32, #tpu.memory_space<vmem>> -> memref<64x512xf32, #tpu.memory_space<vmem>>
    tpu.wait_dma2 semaphore(%dma_wait3A_442 : memref<!tpu.dma_semaphore, #tpu.memory_space<semaphore_mem>>) src(%dma_wait3A_448 : memref<64x512xf32, #tpu.memory_space<vmem>>) dst(%dma_wait3A_444 : memref<64x512xf32, #tpu.memory_space<hbm>>)
    %dma_wait3A_449 = arith.constant 0 : i32
    %dma_wait3A_450 = arith.constant 0 : i32
    %dma_wait3A_451 = arith.constant 0 : i32
    %dma_wait3A_452 = arith.constant 0 : i32
    %dma_wait3A_453 = tpu.memref_slice %arg6[%dma_wait3A_449, %dma_wait3A_451, %dma_wait3A_452] : memref<3x64x512xf32, #tpu.memory_space<vmem>> -> memref<1x64x512xf32, #tpu.memory_space<vmem>>
    %dma_wait3A_454 = tpu.memref_squeeze %dma_wait3A_453 : memref<1x64x512xf32, #tpu.memory_space<vmem>> -> memref<64x512xf32, #tpu.memory_space<vmem>>
    %dma_wait3A_455 = arith.constant 0 : i32
    %dma_wait3A_456 = tpu.memref_slice %arg4[%add3A_385, %dma_wait3A_455] : memref<16384x512xf32, #tpu.memory_space<hbm>> -> memref<64x512xf32, #tpu.memory_space<hbm>>
    %dma_wait3A_457 = tpu.memref_slice %arg8[%dma_wait3A_450] : memref<3x!tpu.dma_semaphore, #tpu.memory_space<semaphore_mem>> -> memref<1x!tpu.dma_semaphore, #tpu.memory_space<semaphore_mem>>
    %dma_wait3A_458 = tpu.memref_squeeze %dma_wait3A_457 : memref<1x!tpu.dma_semaphore, #tpu.memory_space<semaphore_mem>> -> memref<!tpu.dma_semaphore, #tpu.memory_space<semaphore_mem>>
    %dma_wait3A_459 = arith.constant 0 : i32
    %dma_wait3A_460 = tpu.memref_slice %arg4[%add3A_385, %dma_wait3A_459] : memref<16384x512xf32, #tpu.memory_space<hbm>> -> memref<64x512xf32, #tpu.memory_space<hbm>>
    %dma_wait3A_461 = arith.constant 0 : i32
    %dma_wait3A_462 = arith.constant 0 : i32
    %dma_wait3A_463 = tpu.memref_slice %arg6[%dma_wait3A_449, %dma_wait3A_461, %dma_wait3A_462] : memref<3x64x512xf32, #tpu.memory_space<vmem>> -> memref<1x64x512xf32, #tpu.memory_space<vmem>>
    %dma_wait3A_464 = tpu.memref_squeeze %dma_wait3A_463 : memref<1x64x512xf32, #tpu.memory_space<vmem>> -> memref<64x512xf32, #tpu.memory_space<vmem>>
    tpu.wait_dma2 semaphore(%dma_wait3A_458 : memref<!tpu.dma_semaphore, #tpu.memory_space<semaphore_mem>>) src(%dma_wait3A_464 : memref<64x512xf32, #tpu.memory_space<vmem>>) dst(%dma_wait3A_460 : memref<64x512xf32, #tpu.memory_space<hbm>>)
    %dma_wait3A_465 = arith.constant 1 : i32
    %dma_wait3A_466 = arith.constant 1 : i32
    %dma_wait3A_467 = arith.constant 0 : i32
    %dma_wait3A_468 = arith.constant 0 : i32
    %dma_wait3A_469 = tpu.memref_slice %arg6[%dma_wait3A_465, %dma_wait3A_467, %dma_wait3A_468] : memref<3x64x512xf32, #tpu.memory_space<vmem>> -> memref<1x64x512xf32, #tpu.memory_space<vmem>>
    %dma_wait3A_470 = tpu.memref_squeeze %dma_wait3A_469 : memref<1x64x512xf32, #tpu.memory_space<vmem>> -> memref<64x512xf32, #tpu.memory_space<vmem>>
    %dma_wait3A_471 = arith.constant 0 : i32
    %dma_wait3A_472 = tpu.memref_slice %arg4[%add3A_416, %dma_wait3A_471] : memref<16384x512xf32, #tpu.memory_space<hbm>> -> memref<64x512xf32, #tpu.memory_space<hbm>>
    %dma_wait3A_473 = tpu.memref_slice %arg8[%dma_wait3A_466] : memref<3x!tpu.dma_semaphore, #tpu.memory_space<semaphore_mem>> -> memref<1x!tpu.dma_semaphore, #tpu.memory_space<semaphore_mem>>
    %dma_wait3A_474 = tpu.memref_squeeze %dma_wait3A_473 : memref<1x!tpu.dma_semaphore, #tpu.memory_space<semaphore_mem>> -> memref<!tpu.dma_semaphore, #tpu.memory_space<semaphore_mem>>
    %dma_wait3A_475 = arith.constant 0 : i32
    %dma_wait3A_476 = tpu.memref_slice %arg4[%add3A_416, %dma_wait3A_475] : memref<16384x512xf32, #tpu.memory_space<hbm>> -> memref<64x512xf32, #tpu.memory_space<hbm>>
    %dma_wait3A_477 = arith.constant 0 : i32
    %dma_wait3A_478 = arith.constant 0 : i32
    %dma_wait3A_479 = tpu.memref_slice %arg6[%dma_wait3A_465, %dma_wait3A_477, %dma_wait3A_478] : memref<3x64x512xf32, #tpu.memory_space<vmem>> -> memref<1x64x512xf32, #tpu.memory_space<vmem>>
    %dma_wait3A_480 = tpu.memref_squeeze %dma_wait3A_479 : memref<1x64x512xf32, #tpu.memory_space<vmem>> -> memref<64x512xf32, #tpu.memory_space<vmem>>
    tpu.wait_dma2 semaphore(%dma_wait3A_474 : memref<!tpu.dma_semaphore, #tpu.memory_space<semaphore_mem>>) src(%dma_wait3A_480 : memref<64x512xf32, #tpu.memory_space<vmem>>) dst(%dma_wait3A_476 : memref<64x512xf32, #tpu.memory_space<hbm>>)
    return
  }
}

module attributes {stable_mosaic.version = 14 : i64} {
  func.func @_mlp_table_body(%arg0: memref<1000x128xf32, #tpu.memory_space<vmem>>, %arg1: memref<128x512xf32, #tpu.memory_space<vmem>>, %arg2: memref<1x512xf32, #tpu.memory_space<vmem>>, %arg3: memref<512x512xf32, #tpu.memory_space<vmem>>, %arg4: memref<1x512xf32, #tpu.memory_space<vmem>>, %arg5: memref<1024x512xf32, #tpu.memory_space<vmem>>) attributes {dimension_semantics = [], scalar_prefetch = 0 : i64, scratch_operands = 0 : i64, tpu.core_type = #tpu.core_type<tc>} {
    %get3A = arith.constant 0 : index
    %get3A_0 = arith.constant 0 : index
    %get3A_1 = vector.load %arg0[%get3A, %get3A_0] : memref<1000x128xf32, #tpu.memory_space<vmem>>, vector<1000x128xf32>
    %get3A_2 = arith.constant 0 : index
    %get3A_3 = arith.constant 0 : index
    %get3A_4 = vector.load %arg1[%get3A_2, %get3A_3] : memref<128x512xf32, #tpu.memory_space<vmem>>, vector<128x512xf32>
    %dot_general3A = arith.constant dense<0.000000e+00> : vector<1000x512xf32>
    %dot_general3A_5 = tpu.matmul %get3A_1, %get3A_4, %dot_general3A {dimension_numbers = #tpu.dot_dimension_numbers<[1], [0], [0], [1], [0, 0, 1, 1], [], []>, transpose_lhs_hint = false} : vector<1000x128xf32>, vector<128x512xf32>, vector<1000x512xf32> -> vector<1000x512xf32>
    %get3A_6 = arith.constant 0 : index
    %get3A_7 = arith.constant 0 : index
    %get3A_8 = vector.load %arg2[%get3A_6, %get3A_7] : memref<1x512xf32, #tpu.memory_space<vmem>>, vector<1x512xf32>
    %add3A = vector.broadcast %get3A_8 : vector<1x512xf32> to vector<1000x512xf32>
    %add3A_9 = arith.addf %dot_general3A_5, %add3A : vector<1000x512xf32>
    %logistic3A = arith.negf %add3A_9 : vector<1000x512xf32>
    %logistic3A_10 = math.exp %logistic3A : vector<1000x512xf32>
    %logistic3A_11 = arith.constant 1.000000e+00 : f32
    %logistic3A_12 = vector.broadcast %logistic3A_11 : f32 to vector<1000x512xf32>
    %logistic3A_13 = arith.addf %logistic3A_12, %logistic3A_10 : vector<1000x512xf32>
    %logistic3A_14 = arith.divf %logistic3A_12, %logistic3A_13 : vector<1000x512xf32>
    %mul3A = arith.mulf %add3A_9, %logistic3A_14 : vector<1000x512xf32>
    %get3A_15 = arith.constant 0 : index
    %get3A_16 = arith.constant 0 : index
    %get3A_17 = vector.load %arg3[%get3A_15, %get3A_16] : memref<512x512xf32, #tpu.memory_space<vmem>>, vector<512x512xf32>
    %dot_general3A_18 = arith.constant dense<0.000000e+00> : vector<1000x512xf32>
    %dot_general3A_19 = tpu.matmul %mul3A, %get3A_17, %dot_general3A_18 {dimension_numbers = #tpu.dot_dimension_numbers<[1], [0], [0], [1], [0, 0, 1, 1], [], []>, transpose_lhs_hint = false} : vector<1000x512xf32>, vector<512x512xf32>, vector<1000x512xf32> -> vector<1000x512xf32>
    %get3A_20 = arith.constant 0 : index
    %get3A_21 = arith.constant 0 : index
    %get3A_22 = vector.load %arg4[%get3A_20, %get3A_21] : memref<1x512xf32, #tpu.memory_space<vmem>>, vector<1x512xf32>
    %add3A_23 = vector.broadcast %get3A_22 : vector<1x512xf32> to vector<1000x512xf32>
    %add3A_24 = arith.addf %dot_general3A_19, %add3A_23 : vector<1000x512xf32>
    %logistic3A_25 = arith.negf %add3A_24 : vector<1000x512xf32>
    %logistic3A_26 = math.exp %logistic3A_25 : vector<1000x512xf32>
    %logistic3A_27 = arith.constant 1.000000e+00 : f32
    %logistic3A_28 = vector.broadcast %logistic3A_27 : f32 to vector<1000x512xf32>
    %logistic3A_29 = arith.addf %logistic3A_28, %logistic3A_26 : vector<1000x512xf32>
    %logistic3A_30 = arith.divf %logistic3A_28, %logistic3A_29 : vector<1000x512xf32>
    %mul3A_31 = arith.mulf %add3A_24, %logistic3A_30 : vector<1000x512xf32>
    %swap3A = arith.constant 0 : index
    %swap3A_32 = arith.constant 0 : index
    %swap3A_33 = vector.load %arg5[%swap3A, %swap3A_32] : memref<1024x512xf32, #tpu.memory_space<vmem>>, vector<1000x512xf32>
    tpu.vector_store %arg5[%swap3A, %swap3A_32], %mul3A_31 {strides = array<i32>} : memref<1024x512xf32, #tpu.memory_space<vmem>>, vector<1000x512xf32>,
    return
  }
}

</mosaic_0001>

<sc_bundles>
// kernel: kernel.4.cloned.1.call-start
scs
__scs_entry_jumppad:
0x0: {  	(pc) =	sbr.rel $0x88, $3  }
0x1: {  	(tag) =	ssettag $0x0;
	lr =	simm.s32 $0x1  }
0x2: {  	[smem:$0x3F9B] =	sst lr;
	_ =	strace $0xD0000000  }
0x3: {  	_ = 	snop  }
0x4: {  	_ = 	snop  }
0x5: {  	_ = 	snop  }
0x6: {  	_ = 	snop  }
0x7: {  	_ = 	snop  }
__scs_overlays_trampoline_lowered:
0x8: {  	[smem:$0x3FAA] =	sst s0  }
0x9: {  	[smem:$0x3FAB] =	sst s1  }
0xa: {  	[smem:$0x3FAC] =	sst s2  }
0xb: {  	[smem:$0x3FAD] =	sst s3  }
0xc: {  	[smem:$0x3FAE] =	sst s4  }
0xd: {  	[smem:$0x3FAF] =	sst s5  }
0xe: {  	[smem:$0x3FB0] =	sst s6  }
0xf: {  	[smem:$0x3FB1] =	sst s7  }
0x10: {  	[smem:$0x3FB2] =	sst s8  }
0x11: {  	[smem:$0x3FB3] =	sst s9;
	s0 =	simm.s32 @!p0 $0x0  }
0x12: {  	s1 =	sld [smem:$0x3F99];
	s0 =	simm.s32 @p0 $0x1  }
0x13: {  	[smem:$0x3FB4] =	sst s0;
	s0 =	simm.s32 @!p1 $0x0  }
0x14: {  	s2 =	sld [smem:$0x3F98];
	s0 =	simm.s32 @p1 $0x1  }
0x15: {  	[smem:$0x3FB5] =	sst s0;
	s0 =	simm.s32 @!p2 $0x0  }
0x16: {  	s3 =	sld [smem:$0x3FDB];
	s0 =	simm.s32 @p2 $0x1  }
0x17: {  	s4 =	simm.s32 $0x1BF5;
	[smem:$0x3FB7] =	sst s0  }
0x18: {  	s0 =	sld [smem:$0x3F9A];
	_ =	swait.ge [sflag:s4], $0x0  }
0x19: {  	s7 =	sld [smem:$0x3F9B]  }
0x1a: {  	s8 =	sadd.s32 $0xFFFFE003, lr  }
0x1b: {  	s9 =	sadd.s32 $0xFFFFFEF7, lr;
	s5 =	simm.s32 $0xFFFFFFFF;
	p2 =	slt.u32 s8, $0xFFFFF086  }
0x1c: {  	p1 =	slt.u32 s9, $0xF7A;
	s5 =	simm.s32 @!p2 $0x0  }
0x1d: {  	s5 =	simm.s32 @p1 $0x1;
	p0 =	seq.s32 s7, s2  }
0x1e: {  	s7 =	smul.u32 @!p0 $0xF7A, s2;
	p2 =	seq.s32 @!p0 s5, $0x0  }
0x1f: {  	s9 =	smul.u32 $0xF7A, s1;
	s8 =	simm.s32 @!p0 $0x1BF5;
	p2 =	por !p2, p0  }
0x20: {  	[sflag:s8] =	ssyncset.s32 @!p0 $0xFFFFF086;
	s6 =	sadd.s32 @!p0 s3, s7;
	s7 =	simm.s32 @!p0 $0x108  }
0x21: {  	s3 =	sadd.s32 s3, s9;
	s6 =	sadd.s32 @!p0 $0x88, s6;
	s7 =	simm.s32 @p2 $0x1082  }
0x22: {  	[simem:s7], [sflag:s8] =	dma.local @!p0 [hbm:s6], $0xF7A  }
0x23: {  	s9 =	sor.u32 $0xD0000000, s2;
	s6 =	simm.s32 $0x108;
	_ =	swait.ge @!p0 [sflag:s8], $0x0  }
0x24: {  	s3 =	sadd.s32 $0x88, s3;
	s6 =	simm.s32 @!p1 $0x1082;
	[sflag:s4] =	ssyncset.s32 $0xFFFFF086  }
0x25: {  	[simem:s6], [sflag:s4] =	dma.local [hbm:s3], $0xF7A  }
0x26: {  	[smem:$0x3F9B] =	sst s1;
	(tag) =	ssettag s2;
	_ =	strace s9  }
0x27: {  	s1 =	sld [smem:$0x3FAB]  }
0x28: {  	s2 =	sld [smem:$0x3FAC]  }
0x29: {  	s4 =	sld [smem:$0x3FAE]  }
0x2a: {  	p0 =	seq.s32 s5, $0x0;
	s5 =	sld [smem:$0x3FAF]  }
0x2b: {  	s6 =	sld [smem:$0x3FB0]  }
0x2c: {  	s7 =	sld [smem:$0x3FB1]  }
0x2d: {  	s3 =	simm.s32 $0x108;
	s8 =	sld [smem:$0x3FB2]  }
0x2e: {  	s3 =	simm.s32 @!p0 $0x1082;
	s9 =	sld [smem:$0x3FB3]  }
0x2f: {  	lr =	sadd.s32 s0, s3;
	s0 =	sld [smem:$0x3FAA]  }
0x30: {  	s3 =	sld [smem:$0x3FAD]  }
0x31: {  	[smem:$0x3FB6] =	sst s10  }
0x32: {  	s10 =	sld [smem:$0x3FB4];
	_ =	sdelay $0x3  }
0x33: {  	p0 =	seq.s32 s10, $0x1;
	s10 =	sld [smem:$0x3FB6];
	_ =	sdelay $0x3  }
0x34: {  	[smem:$0x3FB6] =	sst s10  }
0x35: {  	s10 =	sld [smem:$0x3FB5];
	_ =	sdelay $0x3  }
0x36: {  	p1 =	seq.s32 s10, $0x1;
	s10 =	sld [smem:$0x3FB6];
	_ =	sdelay $0x3  }
0x37: {  	[smem:$0x3FB6] =	sst s10  }
0x38: {  	s10 =	sld [smem:$0x3FB7]  }
0x39: {  	_ = 	snop;
	(pc) =	sbr.ind lr, $3  }
0x3a: {  	_ = 	snop  }
0x3b: {  	_ = 	snop  }
0x3c: {  	p2 =	seq.s32 s10, $0x1;
	s10 =	sld [smem:$0x3FB6]  }
0x3d: {  	_ =	shalt  }
0x3e: {  	_ =	shalt  }
0x3f: {  	_ =	shalt  }
0x40: {  	_ =	shalt  }
0x41: {  	_ =	shalt  }
0x42: {  	_ =	shalt  }
0x43: {  	_ =	shalt  }
0x44: {  	_ =	shalt  }
0x45: {  	_ =	shalt  }
0x46: {  	_ =	shalt  }
0x47: {  	_ =	shalt  }
0x48: {  	_ =	shalt  }
0x49: {  	_ =	shalt  }
0x4a: {  	_ =	shalt  }
0x4b: {  	_ =	shalt  }
0x4c: {  	_ =	shalt  }
0x4d: {  	_ =	shalt  }
0x4e: {  	_ =	shalt  }
0x4f: {  	_ =	shalt  }
0x50: {  	_ =	shalt  }
0x51: {  	_ =	shalt  }
0x52: {  	_ =	shalt  }
0x53: {  	_ =	shalt  }
0x54: {  	_ =	shalt  }
0x55: {  	_ =	shalt  }
0x56: {  	_ =	shalt  }
0x57: {  	_ =	shalt  }
0x58: {  	_ =	shalt  }
0x59: {  	_ =	shalt  }
0x5a: {  	_ =	shalt  }
0x5b: {  	_ =	shalt  }
0x5c: {  	_ =	shalt  }
0x5d: {  	_ =	shalt  }
0x5e: {  	_ =	shalt  }
0x5f: {  	_ =	shalt  }
0x60: {  	_ =	shalt  }
0x61: {  	_ =	shalt  }
0x62: {  	_ =	shalt  }
0x63: {  	_ =	shalt  }
0x64: {  	_ =	shalt  }
0x65: {  	_ =	shalt  }
0x66: {  	_ =	shalt  }
0x67: {  	_ =	shalt  }
0x68: {  	_ =	shalt  }
0x69: {  	_ =	shalt  }
0x6a: {  	_ =	shalt  }
0x6b: {  	_ =	shalt  }
0x6c: {  	_ =	shalt  }
0x6d: {  	_ =	shalt  }
0x6e: {  	_ =	shalt  }
0x6f: {  	_ =	shalt  }
0x70: {  	_ =	shalt  }
0x71: {  	_ =	shalt  }
0x72: {  	_ =	shalt  }
0x73: {  	_ =	shalt  }
0x74: {  	_ =	shalt  }
0x75: {  	_ =	shalt  }
0x76: {  	_ =	shalt  }
0x77: {  	_ =	shalt  }
0x78: {  	_ =	shalt  }
0x79: {  	_ =	shalt  }
0x7a: {  	_ =	shalt  }
0x7b: {  	_ =	shalt  }
0x7c: {  	_ =	shalt  }
0x7d: {  	_ =	shalt  }
0x7e: {  	_ =	shalt  }
0x7f: {  	_ =	shalt  }
0x80: {  	_ =	shalt  }
0x81: {  	_ =	shalt  }
0x82: {  	_ =	shalt  }
0x83: {  	_ =	shalt  }
0x84: {  	_ =	shalt  }
0x85: {  	_ =	shalt  }
0x86: {  	_ =	shalt  }
0x87: {  	_ =	shalt  }
.Lfunc_end0:
.L_simem_size_0:
called_computation_lowered:
.L_overlay_start_0:
0x88: {  	s2 =	sld [smem:$0x3FD9]  }
0x89: {  	s3 =	sld [smem:$0x3FFE];
	_ =	sdelay $0x1  }
0x8a: {  	s1 =	srdreg.scid  }
0x8b: {  	s0 =	sand.u32 $0x1, s1  }
0x8c: {  	s17 =	sshll.u32 s0, $0xA;
	s2 =	sadd.s32 s3, s2  }
0x8d: {  	s2 =	sadd.s32 s2, s17  }
0x8e: {  	[smem:$0x3FC2] =	sst s2  }
0x8f: {  	_ = 	snop  }
0x90: {  	s2 =	sld [smem:$0x3FC9]  }
0x91: {  	s18 =	sld [smem:$0x3FD0];
	(tm) =	ssettm $0x1  }
0x92: {  	s4 =	sld [smem:$0x3FFB];
	_ =	sdelay $0x3  }
0x93: {  	_ =	strace s4  }
0x94: {  	s4 =	sld [smem:$0x3FFC];
	_ =	sdelay $0x3  }
0x95: {  	_ =	strace s4  }
0x96: {  	s4 =	sld [smem:$0x3FFD];
	_ =	sdelay $0x3  }
0x97: {  	_ =	strace s4  }
0x98: {  	_ =	strace $0x8FFFFFFF  }
0x99: {  	s19 =	sld [smem:$0x3FDB];
	_ =	sdelay $0x1  }
0x9a: {  	s5 =	simm.s32 $_scs_section_size  }
0x9b: {  	s6 =	simm.s32 $_size__tile_overlayer_lowered;
	s7 =	simm.s32 $_tile_overlayer_lowered  }
0x9c: {  	s22 =	simm.s32 $0x1BFF;
	s21 =	sshll.u32 s7, $0x1;
	s4 =	sadd.s32 s5, s19  }
0x9d: {  	s8 =	simm.s32 $0x0;
	s20 =	sshll.u32 s6, $0x1;
	s6 =	sadd.s32 s21, s4  }
0x9e: {  	[timem:s8], [sflag:s22] =	dma.local [hbm:s6], s20  }
0x9f: {  	_ =	swait.ge [sflag:s22], s20  }
0xa0: {  	s5 =	ssub.s32 $0x0, s20;
	[sflag:s22] =	ssyncset.done $0x0  }
0xa1: {  	[sflag:s22] =	ssyncadd.s32 s5;
	_ =	sdelay $0x1  }
0xa2: {  	s23 =	simm.s32 $0x1B8B  }
0xa3: {  	_ =	swait.ge [sflag:s23], $0x1  }
0xa4: {  	[sflag:s23] =	ssyncset.done $0x0  }
0xa5: {  	s25 =	simm.s32 $0x1B8E;
	s24 =	sld [smem:$0x3FFE];
	[sflag:s23] =	ssyncadd.s32 $0xFFFFFFFF  }
0xa6: {  	s26 =	simm.s32 $execute0_lowered;
	[smem:$0x3FD2] =	sst s25  }
0xa7: {  	s6 =	sshll.u32 s26, $0x1;
	_ =	strace $0x80000046;
	[dreg:$0x1] =	wrdreg $0xFFFFFFFF  }
0xa8: {  	s28 =	simm.s32 $_size_execute0_lowered;
	s4 =	sadd.s32 s4, s6;
	[dreg:$0x0] =	wrdreg $0x0  }
0xa9: {  	s6 =	sshll.u32 s28, $0x1;
	[dreg:$0x2] =	wrdreg s4  }
0xaa: {  	[dreg:$0x3] =	wrdreg s6  }
0xab: {  	[dreg:$0x4] =	wrdreg $0xC0  }
0xac: {  	_ =	task [dreg:s8], $0x5FFFF  }
0xad: {  	[dreg:$0x1] =	wrdreg $0xFFFFFFFF  }
0xae: {  	[dreg:$0x0] =	wrdreg $0x60  }
0xaf: {  	[dreg:$0x2] =	wrdreg s24  }
0xb0: {  	[dreg:$0x3] =	wrdreg s2  }
0xb1: {  	[dreg:$0x4] =	wrdreg s18  }
0xb2: {  	[dreg:$0x5] =	wrdreg $0x9  }
0xb3: {  	_ =	task.clear_ibuf [dreg:s8], $0x6FFFF;
	_ =	strace $0x90000046  }
0xb4: {  	s29 =	simm.s32 $0x9;
	_ =	strace $0x80000048  }
0xb5: {  	_ =	swait.ge [sflag:s29], $0x1  }
0xb6: {  	[sflag:s29] =	ssyncadd.s32 $0xFFFFFFFF  }
0xb7: {  	_ =	strace $0x90000048  }
0xb8: {  	_ =	sfence  }
0xb9: {  	s30 =	sld [smem:$0x0];
	_ =	sdelay $0x2  }
0xba: {  	s31 =	sshll.u32 s1, $0xD;
	s1 =	sshrl.u32 s1, $0x2  }
0xbb: {  	s3 =	sand.u32 $0x4000, s31;
	s1 =	sadd.s32 s1, s30  }
0xbc: {  	s0 =	sor.u32 s3, s0;
	s1 =	sshll.u32 s1, $0x11  }
0xbd: {  	s0 =	sor.u32 s1, s0  }
0xbe: {  	s0 =	sadd.s32 $0x8F2B, s0  }
0xbf: {  	[sflag:s0] =	ssyncadd.remote.s32 $0x1  }
0xc0: {  	_ =	sfence.sel $0xFFFF  }
0xc1: {  	[dreg:$0x0] =	wrdreg $0xFFFFFFFF;
	(pc) =	sbr.abs _section_cstart, $3  }
0xc2: {  	[dreg:$0x1] =	wrdreg $0xFFFFFFFF  }
0xc3: {  	_ =	task.clear_ibuf [dreg:s8], $0x2FFFF;
	_ =	strace $0x9FFFFFFF  }
0xc4: {  	(tm) =	ssettm $0x7FFFFFFF  }
0xc5: {  	_ =	shalt  }
tec
execute0_lowered:
.L_overlay_start_1:
0x0: {  	(tag) =	ssettag $0x1  }
0x1: {  	s0 =	rddreg [dreg:$0x0]  }
0x2: {  	s1 =	srdreg.scid;
	s3 =	rddreg [dreg:$0x1]  }
0x3: {  	s2 =	stileid.u32;
	s4 =	rddreg [dreg:$0x2];
	s29 =	simm.s32 $0x8200  }
0x4: {  	s14 =	simm.s32 $0x1;
	s16 =	simm.s32 $0x2;
	s17 =	simm.s32 $0x4  }
0x5: {  	s30 =	simm.s32 $0x3A00;
	s31 =	simm.s32 $0x4200;
	s8 =	simm.s32 $0x10200  }
0x6: {  	s12 =	simm.s32 $0x10A00;
	s13 =	simm.s32 $0x11200;
	s15 =	simm.s32 $0x11A00  }
0x7: {  	s7 =	simm.s32 $0x13A00;
	s9 =	simm.s32 $0x14200;
	s1 =	sand.u32 $0x1, s1  }
0x8: {  	s10 =	simm.s32 $0x14A00;
	s5 =	sshll.u32 s2, $0xA;
	s6 =	sshll.u32 s1, $0x9  }
0x9: {  	s11 =	simm.s32 $0x15200;
	s2 =	simm.s32 $0x0;
	s5 =	sor.u32 s6, s5  }
0xa: {  	s28 =	simm.s32 $0x17A00;
	[smem:$0x7FF] =	sst s2;
	s6 =	sshrl.u32 s5, $0x3  }
0xb: {  	s1 =	ssub.s32 $0x2, s1;
	s5 =	sshll.u32 s5, $0x6;
	s3 =	sadd.s32 s3, s6  }
0xc: {  	_ =	strace $0x80000047;
	s18 =	sadd.s32 s4, s5;
	[dreg:$0x4] =	wrdreg s3  }
0xd: {  	s23 =	sshrl.u32 s1, $0x1;
	s19 =	sadd.s32 $0x1000, s18;
	[dreg:$0xc] =	wrdreg s18  }
0xe: {  	s1 =	ssub.s32 s1, s23;
	s20 =	sadd.s32 $0x2000, s18;
	[dreg:$0x5] =	wrdreg s19  }
0xf: {  	s23 =	simm.s32 $0x16200;
	s21 =	sadd.s32 $0x3000, s18;
	[dreg:$0x6] =	wrdreg s20  }
0x10: {  	s4 =	sadd.s32 $0x1000, s0;
	s22 =	sadd.s32 $0x4000, s18;
	[dreg:$0x7] =	wrdreg s21  }
0x11: {  	s5 =	sadd.s32 $0x1100, s0;
	s24 =	sadd.s32 $0x5000, s18;
	[dreg:$0x8] =	wrdreg s22  }
0x12: {  	s6 =	smax.u32 s1, $0x1;
	s25 =	sadd.s32 $0x6000, s18;
	[dreg:$0x9] =	wrdreg s24  }
0x13: {  	s0 =	simm.s32 $0x200;
	s26 =	sadd.s32 $0x7000, s18;
	[dreg:$0xa] =	wrdreg s25  }
0x14: {  	v2 =	vlaneseq.u32;
	s18 =	simm.s32 $0x3;
	s3 =	simm.s32 $0x13200;
	[dreg:$0xb] =	wrdreg s26  }
0x15: {  	vm0 =	vmmov $0xffff;
	v1 =	vshrl.u32 v2, $0x3;
	s19 =	simm.s32 $0x5;
	s20 =	simm.s32 $0x6;
	s24 =	simm.s32 $0x12200  }
0x16: {  	v0 =	vand.u32 $0x7, v2;
	v2 =	vor.u32 $0x8, v2;
	v1 =	vmul.u32 $0x8, v1;
	s22 =	simm.s32 $0x15A00;
	s25 =	simm.s32 $0x16A00;
	s26 =	simm.s32 $0x17200  }
.LBB2_1:
0x17: {  	s21 =	rddreg [dreg:$0x4];
	s1 =	simm.s32 $0x7  }
0x18: {  	[tilespmem:s2], [sflag:$0x7] =	stream.linear.gather [hbm4b:s21+s2], $0x200, $0x38;
	[tilespmem:$0x18200] =	vst v63  }
0x19: {  	_ =	swait.ge [sflag:s1], $0x200  }
0x1a: {  	[sflag:s1] =	ssyncset.done $0x0  }
0x1b: {  	[sflag:s1] =	ssyncadd.s32 $0xFFFFFE00  }
0x1c: {  	v3 =	vld [tilespmem:$0x0];
	_ =	sdelay $0x4  }
0x1d: {  	v4 =	vshll.u32 v3, $0x2  }
0x1e: {  	v3 =	vand.u32 $0x7, v3;
	v4 =	vand.u32 $0xFFFFFFE0, v4  }
0x1f: {  	v3 =	vor.u32 v3, v4  }
0x20: {  	v4 =	vperm.xlane v3, v0;
	_ =	sdelay $0x1  }
0x21: {  	v4 =	vadd.s32 v1, v4;
	_ =	sdelay $0x1  }
0x22: {  	v3 =	vperm.xlane v3, v2;
	_ =	sdelay $0x1  }
0x23: {  	v3 =	vadd.s32 v1, v3  }
0x24: {  	[tilespmem:s0], [sflag:$0x1] =	stream.indirect_vreg.gather [hbm4b:s4+s2], $0x80, v4, vm0, $0xb8;
	[tilespmem:$0x18200] =	vst v63  }
0x25: {  	s1 =	simm.s32 $0xA00  }
0x26: {  	[tilespmem:s1], [sflag:$0x1] =	stream.indirect_vreg.gather [hbm4b:s5+s2], $0x80, v4, vm0, $0xb8;
	[tilespmem:$0x18200] =	vst v63  }
0x27: {  	s21 =	simm.s32 $0x1200  }
0x28: {  	[tilespmem:s21], [sflag:$0x1] =	stream.indirect_vreg.gather [hbm4b:s4+s2], $0x80, v3, vm0, $0xb8;
	[tilespmem:$0x18200] =	vst v63  }
0x29: {  	s21 =	simm.s32 $0x1A00  }
0x2a: {  	[tilespmem:s21], [sflag:$0x1] =	stream.indirect_vreg.gather [hbm4b:s5+s2], $0x80, v3, vm0, $0xb8;
	[tilespmem:$0x18200] =	vst v63  }
0x2b: {  	v3 =	vld [tilespmem:$0x10];
	_ =	sdelay $0x4  }
0x2c: {  	v33 =	vshll.u32 v3, $0x2  }
0x2d: {  	v3 =	vand.u32 $0x7, v3;
	v4 =	vand.u32 $0xFFFFFFE0, v33  }
0x2e: {  	v3 =	vor.u32 v3, v4  }
0x2f: {  	v4 =	vperm.xlane v3, v0;
	_ =	sdelay $0x1  }
0x30: {  	v4 =	vadd.s32 v1, v4;
	_ =	sdelay $0x1  }
0x31: {  	v3 =	vperm.xlane v3, v2;
	_ =	sdelay $0x1  }
0x32: {  	s21 =	simm.s32 $0x2200;
	v3 =	vadd.s32 v1, v3  }
0x33: {  	[tilespmem:s21], [sflag:$0x1] =	stream.indirect_vreg.gather [hbm4b:s4+s2], $0x80, v4, vm0, $0xb8;
	[tilespmem:$0x18200] =	vst v63  }
0x34: {  	s21 =	simm.s32 $0x2A00  }
0x35: {  	[tilespmem:s21], [sflag:$0x1] =	stream.indirect_vreg.gather [hbm4b:s5+s2], $0x80, v4, vm0, $0xb8;
	[tilespmem:$0x18200] =	vst v63  }
0x36: {  	s21 =	simm.s32 $0x3200  }
0x37: {  	[tilespmem:s21], [sflag:$0x1] =	stream.indirect_vreg.gather [hbm4b:s4+s2], $0x80, v3, vm0, $0xb8;
	[tilespmem:$0x18200] =	vst v63  }
0x38: {  	_ = 	snop  }
0x39: {  	[tilespmem:s30], [sflag:$0x1] =	stream.indirect_vreg.gather [hbm4b:s5+s2], $0x80, v3, vm0, $0xb8;
	[tilespmem:$0x18200] =	vst v63  }
0x3a: {  	v3 =	vld [tilespmem:$0x20];
	_ =	sdelay $0x4  }
0x3b: {  	v34 =	vshll.u32 v3, $0x2  }
0x3c: {  	v3 =	vand.u32 $0x7, v3;
	v4 =	vand.u32 $0xFFFFFFE0, v34  }
0x3d: {  	v3 =	vor.u32 v3, v4  }
0x3e: {  	v4 =	vperm.xlane v3, v0;
	_ =	sdelay $0x1  }
0x3f: {  	v4 =	vadd.s32 v1, v4;
	_ =	sdelay $0x1  }
0x40: {  	v3 =	vperm.xlane v3, v2;
	_ =	sdelay $0x1  }
0x41: {  	v3 =	vadd.s32 v1, v3  }
0x42: {  	[tilespmem:s31], [sflag:$0x1] =	stream.indirect_vreg.gather [hbm4b:s4+s2], $0x80, v4, vm0, $0xb8;
	[tilespmem:$0x18200] =	vst v63  }
0x43: {  	s21 =	simm.s32 $0x4A00  }
0x44: {  	[tilespmem:s21], [sflag:$0x1] =	stream.indirect_vreg.gather [hbm4b:s5+s2], $0x80, v4, vm0, $0xb8;
	[tilespmem:$0x18200] =	vst v63  }
0x45: {  	s21 =	simm.s32 $0x5200  }
0x46: {  	[tilespmem:s21], [sflag:$0x1] =	stream.indirect_vreg.gather [hbm4b:s4+s2], $0x80, v3, vm0, $0xb8;
	[tilespmem:$0x18200] =	vst v63  }
0x47: {  	s21 =	simm.s32 $0x5A00  }
0x48: {  	[tilespmem:s21], [sflag:$0x1] =	stream.indirect_vreg.gather [hbm4b:s5+s2], $0x80, v3, vm0, $0xb8;
	[tilespmem:$0x18200] =	vst v63  }
0x49: {  	v3 =	vld [tilespmem:$0x30];
	_ =	sdelay $0x4  }
0x4a: {  	v35 =	vshll.u32 v3, $0x2  }
0x4b: {  	v3 =	vand.u32 $0x7, v3;
	v4 =	vand.u32 $0xFFFFFFE0, v35  }
0x4c: {  	v3 =	vor.u32 v3, v4  }
0x4d: {  	v4 =	vperm.xlane v3, v0;
	_ =	sdelay $0x1  }
0x4e: {  	v4 =	vadd.s32 v1, v4;
	_ =	sdelay $0x1  }
0x4f: {  	v3 =	vperm.xlane v3, v2;
	_ =	sdelay $0x1  }
0x50: {  	s21 =	simm.s32 $0x6200;
	v3 =	vadd.s32 v1, v3  }
0x51: {  	[tilespmem:s21], [sflag:$0x1] =	stream.indirect_vreg.gather [hbm4b:s4+s2], $0x80, v4, vm0, $0xb8;
	[tilespmem:$0x18200] =	vst v63  }
0x52: {  	s21 =	simm.s32 $0x6A00  }
0x53: {  	[tilespmem:s21], [sflag:$0x1] =	stream.indirect_vreg.gather [hbm4b:s5+s2], $0x80, v4, vm0, $0xb8;
	[tilespmem:$0x18200] =	vst v63  }
0x54: {  	s21 =	simm.s32 $0x7200  }
0x55: {  	[tilespmem:s21], [sflag:$0x1] =	stream.indirect_vreg.gather [hbm4b:s4+s2], $0x80, v3, vm0, $0xb8;
	[tilespmem:$0x18200] =	vst v63  }
0x56: {  	s21 =	simm.s32 $0x7A00  }
0x57: {  	[tilespmem:s21], [sflag:$0x1] =	stream.indirect_vreg.gather [hbm4b:s5+s2], $0x80, v3, vm0, $0xb8;
	[tilespmem:$0x18200] =	vst v63  }
0x58: {  	v3 =	vld [tilespmem:$0x40];
	_ =	sdelay $0x4  }
0x59: {  	v36 =	vshll.u32 v3, $0x2  }
0x5a: {  	v3 =	vand.u32 $0x7, v3;
	v4 =	vand.u32 $0xFFFFFFE0, v36  }
0x5b: {  	v3 =	vor.u32 v3, v4  }
0x5c: {  	v4 =	vperm.xlane v3, v0;
	_ =	sdelay $0x1  }
0x5d: {  	v4 =	vadd.s32 v1, v4;
	_ =	sdelay $0x1  }
0x5e: {  	v3 =	vperm.xlane v3, v2;
	_ =	sdelay $0x1  }
0x5f: {  	v3 =	vadd.s32 v1, v3  }
0x60: {  	[tilespmem:s29], [sflag:$0x2] =	stream.indirect_vreg.gather [hbm4b:s4+s2], $0x80, v4, vm0, $0xb8;
	[tilespmem:$0x18200] =	vst v63  }
0x61: {  	s21 =	simm.s32 $0x8A00  }
0x62: {  	[tilespmem:s21], [sflag:$0x2] =	stream.indirect_vreg.gather [hbm4b:s5+s2], $0x80, v4, vm0, $0xb8;
	[tilespmem:$0x18200] =	vst v63  }
0x63: {  	s21 =	simm.s32 $0x9200  }
0x64: {  	[tilespmem:s21], [sflag:$0x2] =	stream.indirect_vreg.gather [hbm4b:s4+s2], $0x80, v3, vm0, $0xb8;
	[tilespmem:$0x18200] =	vst v63  }
0x65: {  	s21 =	simm.s32 $0x9A00  }
0x66: {  	[tilespmem:s21], [sflag:$0x2] =	stream.indirect_vreg.gather [hbm4b:s5+s2], $0x80, v3, vm0, $0xb8;
	[tilespmem:$0x18200] =	vst v63  }
0x67: {  	v3 =	vld [tilespmem:$0x50];
	_ =	sdelay $0x4  }
0x68: {  	v37 =	vshll.u32 v3, $0x2  }
0x69: {  	v3 =	vand.u32 $0x7, v3;
	v4 =	vand.u32 $0xFFFFFFE0, v37  }
0x6a: {  	v3 =	vor.u32 v3, v4  }
0x6b: {  	v4 =	vperm.xlane v3, v0;
	_ =	sdelay $0x1  }
0x6c: {  	v4 =	vadd.s32 v1, v4;
	_ =	sdelay $0x1  }
0x6d: {  	v3 =	vperm.xlane v3, v2;
	_ =	sdelay $0x1  }
0x6e: {  	s21 =	simm.s32 $0xA200;
	v3 =	vadd.s32 v1, v3  }
0x6f: {  	[tilespmem:s21], [sflag:$0x2] =	stream.indirect_vreg.gather [hbm4b:s4+s2], $0x80, v4, vm0, $0xb8;
	[tilespmem:$0x18200] =	vst v63  }
0x70: {  	s21 =	simm.s32 $0xAA00  }
0x71: {  	[tilespmem:s21], [sflag:$0x2] =	stream.indirect_vreg.gather [hbm4b:s5+s2], $0x80, v4, vm0, $0xb8;
	[tilespmem:$0x18200] =	vst v63  }
0x72: {  	s21 =	simm.s32 $0xB200  }
0x73: {  	[tilespmem:s21], [sflag:$0x2] =	stream.indirect_vreg.gather [hbm4b:s4+s2], $0x80, v3, vm0, $0xb8;
	[tilespmem:$0x18200] =	vst v63  }
0x74: {  	s21 =	simm.s32 $0xBA00  }
0x75: {  	[tilespmem:s21], [sflag:$0x2] =	stream.indirect_vreg.gather [hbm4b:s5+s2], $0x80, v3, vm0, $0xb8;
	[tilespmem:$0x18200] =	vst v63  }
0x76: {  	v3 =	vld [tilespmem:$0x60];
	_ =	sdelay $0x4  }
0x77: {  	v38 =	vshll.u32 v3, $0x2  }
0x78: {  	v3 =	vand.u32 $0x7, v3;
	v4 =	vand.u32 $0xFFFFFFE0, v38  }
0x79: {  	v3 =	vor.u32 v3, v4  }
0x7a: {  	v4 =	vperm.xlane v3, v0;
	_ =	sdelay $0x1  }
0x7b: {  	v4 =	vadd.s32 v1, v4;
	_ =	sdelay $0x1  }
0x7c: {  	v3 =	vperm.xlane v3, v2;
	_ =	sdelay $0x1  }
0x7d: {  	s21 =	simm.s32 $0xC200;
	v3 =	vadd.s32 v1, v3  }
0x7e: {  	[tilespmem:s21], [sflag:$0x2] =	stream.indirect_vreg.gather [hbm4b:s4+s2], $0x80, v4, vm0, $0xb8;
	[tilespmem:$0x18200] =	vst v63  }
0x7f: {  	s21 =	simm.s32 $0xCA00  }
0x80: {  	[tilespmem:s21], [sflag:$0x2] =	stream.indirect_vreg.gather [hbm4b:s5+s2], $0x80, v4, vm0, $0xb8;
	[tilespmem:$0x18200] =	vst v63  }
0x81: {  	s21 =	simm.s32 $0xD200  }
0x82: {  	[tilespmem:s21], [sflag:$0x2] =	stream.indirect_vreg.gather [hbm4b:s4+s2], $0x80, v3, vm0, $0xb8;
	[tilespmem:$0x18200] =	vst v63  }
0x83: {  	s21 =	simm.s32 $0xDA00  }
0x84: {  	[tilespmem:s21], [sflag:$0x2] =	stream.indirect_vreg.gather [hbm4b:s5+s2], $0x80, v3, vm0, $0xb8;
	[tilespmem:$0x18200] =	vst v63  }
0x85: {  	v3 =	vld [tilespmem:$0x70];
	_ =	sdelay $0x4  }
0x86: {  	v39 =	vshll.u32 v3, $0x2  }
0x87: {  	v3 =	vand.u32 $0x7, v3;
	v4 =	vand.u32 $0xFFFFFFE0, v39  }
0x88: {  	v3 =	vor.u32 v3, v4  }
0x89: {  	v4 =	vperm.xlane v3, v0;
	_ =	sdelay $0x1  }
0x8a: {  	v4 =	vadd.s32 v1, v4;
	_ =	sdelay $0x1  }
0x8b: {  	v3 =	vperm.xlane v3, v2;
	_ =	sdelay $0x1  }
0x8c: {  	s21 =	simm.s32 $0xE200;
	v3 =	vadd.s32 v1, v3  }
0x8d: {  	[tilespmem:s21], [sflag:$0x2] =	stream.indirect_vreg.gather [hbm4b:s4+s2], $0x80, v4, vm0, $0xb8;
	[tilespmem:$0x18200] =	vst v63  }
0x8e: {  	s21 =	simm.s32 $0xEA00  }
0x8f: {  	[tilespmem:s21], [sflag:$0x2] =	stream.indirect_vreg.gather [hbm4b:s5+s2], $0x80, v4, vm0, $0xb8;
	[tilespmem:$0x18200] =	vst v63  }
0x90: {  	s21 =	simm.s32 $0xF200  }
0x91: {  	[tilespmem:s21], [sflag:$0x2] =	stream.indirect_vreg.gather [hbm4b:s4+s2], $0x80, v3, vm0, $0xb8;
	[tilespmem:$0x18200] =	vst v63  }
0x92: {  	s21 =	simm.s32 $0xFA00  }
0x93: {  	[tilespmem:s21], [sflag:$0x2] =	stream.indirect_vreg.gather [hbm4b:s5+s2], $0x80, v3, vm0, $0xb8;
	[tilespmem:$0x18200] =	vst v63  }
0x94: {  	_ =	swait.ge [sflag:s14], $0x8000  }
0x95: {  	[sflag:s14] =	ssyncset.done $0x0  }
0x96: {  	s1 =	rddreg [dreg:$0xc];
	[sflag:s14] =	ssyncadd.s32 $0xFFFF8000  }
0x97: {  	[hbm4b:s1+s2] =	stream.linear.scatter [tilespmem:s0], [sflag:$0x4], $0x8000, $0x38;
	[tilespmem:$0x18200] =	vst v63  }
0x98: {  	v3 =	vld [tilespmem:$0x80];
	_ =	sdelay $0x4  }
0x99: {  	v40 =	vshll.u32 v3, $0x2  }
0x9a: {  	v3 =	vand.u32 $0x7, v3;
	v4 =	vand.u32 $0xFFFFFFE0, v40  }
0x9b: {  	v3 =	vor.u32 v3, v4  }
0x9c: {  	v4 =	vperm.xlane v3, v0;
	_ =	sdelay $0x1  }
0x9d: {  	v4 =	vadd.s32 v1, v4;
	_ =	sdelay $0x1  }
0x9e: {  	v3 =	vperm.xlane v3, v2;
	_ =	sdelay $0x1  }
0x9f: {  	v3 =	vadd.s32 v1, v3  }
0xa0: {  	[tilespmem:s8], [sflag:$0x3] =	stream.indirect_vreg.gather [hbm4b:s4+s2], $0x80, v4, vm0, $0xb8;
	[tilespmem:$0x18200] =	vst v63  }
0xa1: {  	_ = 	snop  }
0xa2: {  	[tilespmem:s12], [sflag:$0x3] =	stream.indirect_vreg.gather [hbm4b:s5+s2], $0x80, v4, vm0, $0xb8;
	[tilespmem:$0x18200] =	vst v63  }
0xa3: {  	_ = 	snop  }
0xa4: {  	[tilespmem:s13], [sflag:$0x3] =	stream.indirect_vreg.gather [hbm4b:s4+s2], $0x80, v3, vm0, $0xb8;
	[tilespmem:$0x18200] =	vst v63  }
0xa5: {  	_ = 	snop  }
0xa6: {  	[tilespmem:s15], [sflag:$0x3] =	stream.indirect_vreg.gather [hbm4b:s5+s2], $0x80, v3, vm0, $0xb8;
	[tilespmem:$0x18200] =	vst v63  }
0xa7: {  	v3 =	vld [tilespmem:$0x90];
	_ =	sdelay $0x4  }
0xa8: {  	v41 =	vshll.u32 v3, $0x2  }
0xa9: {  	v3 =	vand.u32 $0x7, v3;
	v4 =	vand.u32 $0xFFFFFFE0, v41  }
0xaa: {  	v3 =	vor.u32 v3, v4  }
0xab: {  	v4 =	vperm.xlane v3, v0;
	_ =	sdelay $0x1  }
0xac: {  	v4 =	vadd.s32 v1, v4;
	_ =	sdelay $0x1  }
0xad: {  	v3 =	vperm.xlane v3, v2;
	_ =	sdelay $0x1  }
0xae: {  	v3 =	vadd.s32 v1, v3  }
0xaf: {  	[tilespmem:s24], [sflag:$0x3] =	stream.indirect_vreg.gather [hbm4b:s4+s2], $0x80, v4, vm0, $0xb8;
	[tilespmem:$0x18200] =	vst v63  }
0xb0: {  	s1 =	simm.s32 $0x12A00  }
0xb1: {  	[tilespmem:s1], [sflag:$0x3] =	stream.indirect_vreg.gather [hbm4b:s5+s2], $0x80, v4, vm0, $0xb8;
	[tilespmem:$0x18200] =	vst v63  }
0xb2: {  	_ = 	snop  }
0xb3: {  	[tilespmem:s3], [sflag:$0x3] =	stream.indirect_vreg.gather [hbm4b:s4+s2], $0x80, v3, vm0, $0xb8;
	[tilespmem:$0x18200] =	vst v63  }
0xb4: {  	_ = 	snop  }
0xb5: {  	[tilespmem:s7], [sflag:$0x3] =	stream.indirect_vreg.gather [hbm4b:s5+s2], $0x80, v3, vm0, $0xb8;
	[tilespmem:$0x18200] =	vst v63  }
0xb6: {  	v3 =	vld [tilespmem:$0xA0];
	_ =	sdelay $0x4  }
0xb7: {  	v42 =	vshll.u32 v3, $0x2  }
0xb8: {  	v3 =	vand.u32 $0x7, v3;
	v4 =	vand.u32 $0xFFFFFFE0, v42  }
0xb9: {  	v3 =	vor.u32 v3, v4  }
0xba: {  	v4 =	vperm.xlane v3, v0;
	_ =	sdelay $0x1  }
0xbb: {  	v4 =	vadd.s32 v1, v4;
	_ =	sdelay $0x1  }
0xbc: {  	v3 =	vperm.xlane v3, v2;
	_ =	sdelay $0x1  }
0xbd: {  	v3 =	vadd.s32 v1, v3  }
0xbe: {  	[tilespmem:s9], [sflag:$0x3] =	stream.indirect_vreg.gather [hbm4b:s4+s2], $0x80, v4, vm0, $0xb8;
	[tilespmem:$0x18200] =	vst v63  }
0xbf: {  	_ = 	snop  }
0xc0: {  	[tilespmem:s10], [sflag:$0x3] =	stream.indirect_vreg.gather [hbm4b:s5+s2], $0x80, v4, vm0, $0xb8;
	[tilespmem:$0x18200] =	vst v63  }
0xc1: {  	_ = 	snop  }
0xc2: {  	[tilespmem:s11], [sflag:$0x3] =	stream.indirect_vreg.gather [hbm4b:s4+s2], $0x80, v3, vm0, $0xb8;
	[tilespmem:$0x18200] =	vst v63  }
0xc3: {  	_ = 	snop  }
0xc4: {  	[tilespmem:s22], [sflag:$0x3] =	stream.indirect_vreg.gather [hbm4b:s5+s2], $0x80, v3, vm0, $0xb8;
	[tilespmem:$0x18200] =	vst v63  }
0xc5: {  	v3 =	vld [tilespmem:$0xB0];
	_ =	sdelay $0x4  }
0xc6: {  	v43 =	vshll.u32 v3, $0x2  }
0xc7: {  	v3 =	vand.u32 $0x7, v3;
	v4 =	vand.u32 $0xFFFFFFE0, v43  }
0xc8: {  	v3 =	vor.u32 v3, v4  }
0xc9: {  	v4 =	vperm.xlane v3, v0;
	_ =	sdelay $0x1  }
0xca: {  	v4 =	vadd.s32 v1, v4;
	_ =	sdelay $0x1  }
0xcb: {  	v3 =	vperm.xlane v3, v2;
	_ =	sdelay $0x1  }
0xcc: {  	v3 =	vadd.s32 v1, v3  }
0xcd: {  	[tilespmem:s23], [sflag:$0x3] =	stream.indirect_vreg.gather [hbm4b:s4+s2], $0x80, v4, vm0, $0xb8;
	[tilespmem:$0x18200] =	vst v63  }
0xce: {  	_ = 	snop  }
0xcf: {  	[tilespmem:s25], [sflag:$0x3] =	stream.indirect_vreg.gather [hbm4b:s5+s2], $0x80, v4, vm0, $0xb8;
	[tilespmem:$0x18200] =	vst v63  }
0xd0: {  	_ = 	snop  }
0xd1: {  	[tilespmem:s26], [sflag:$0x3] =	stream.indirect_vreg.gather [hbm4b:s4+s2], $0x80, v3, vm0, $0xb8;
	[tilespmem:$0x18200] =	vst v63  }
0xd2: {  	_ = 	snop  }
0xd3: {  	[tilespmem:s28], [sflag:$0x3] =	stream.indirect_vreg.gather [hbm4b:s5+s2], $0x80, v3, vm0, $0xb8;
	[tilespmem:$0x18200] =	vst v63  }
0xd4: {  	_ =	swait.ge [sflag:s16], $0x8000  }
0xd5: {  	[sflag:s16] =	ssyncset.done $0x0  }
0xd6: {  	s21 =	rddreg [dreg:$0x5];
	[sflag:s16] =	ssyncadd.s32 $0xFFFF8000  }
0xd7: {  	[hbm4b:s21+s2] =	stream.linear.scatter [tilespmem:s29], [sflag:$0x5], $0x8000, $0x38;
	[tilespmem:$0x18200] =	vst v63  }
0xd8: {  	_ =	swait.ge [sflag:s17], $0x8000  }
0xd9: {  	[sflag:s17] =	ssyncset.done $0x0  }
0xda: {  	[sflag:s17] =	ssyncadd.s32 $0xFFFF8000  }
0xdb: {  	v3 =	vld [tilespmem:$0xC0];
	_ =	sdelay $0x4  }
0xdc: {  	v44 =	vshll.u32 v3, $0x2  }
0xdd: {  	v3 =	vand.u32 $0x7, v3;
	v4 =	vand.u32 $0xFFFFFFE0, v44  }
0xde: {  	v3 =	vor.u32 v3, v4  }
0xdf: {  	v4 =	vperm.xlane v3, v0;
	_ =	sdelay $0x1  }
0xe0: {  	v4 =	vadd.s32 v1, v4;
	_ =	sdelay $0x1  }
0xe1: {  	v3 =	vperm.xlane v3, v2;
	_ =	sdelay $0x1  }
0xe2: {  	v3 =	vadd.s32 v1, v3  }
0xe3: {  	[tilespmem:s0], [sflag:$0x1] =	stream.indirect_vreg.gather [hbm4b:s4+s2], $0x80, v4, vm0, $0xb8;
	[tilespmem:$0x18200] =	vst v63  }
0xe4: {  	s21 =	simm.s32 $0xA00  }
0xe5: {  	[tilespmem:s21], [sflag:$0x1] =	stream.indirect_vreg.gather [hbm4b:s5+s2], $0x80, v4, vm0, $0xb8;
	[tilespmem:$0x18200] =	vst v63  }
0xe6: {  	s21 =	simm.s32 $0x1200  }
0xe7: {  	[tilespmem:s21], [sflag:$0x1] =	stream.indirect_vreg.gather [hbm4b:s4+s2], $0x80, v3, vm0, $0xb8;
	[tilespmem:$0x18200] =	vst v63  }
0xe8: {  	s21 =	simm.s32 $0x1A00  }
0xe9: {  	[tilespmem:s21], [sflag:$0x1] =	stream.indirect_vreg.gather [hbm4b:s5+s2], $0x80, v3, vm0, $0xb8;
	[tilespmem:$0x18200] =	vst v63  }
0xea: {  	v3 =	vld [tilespmem:$0xD0];
	_ =	sdelay $0x4  }
0xeb: {  	v45 =	vshll.u32 v3, $0x2  }
0xec: {  	v3 =	vand.u32 $0x7, v3;
	v4 =	vand.u32 $0xFFFFFFE0, v45  }
0xed: {  	v3 =	vor.u32 v3, v4  }
0xee: {  	v4 =	vperm.xlane v3, v0;
	_ =	sdelay $0x1  }
0xef: {  	v4 =	vadd.s32 v1, v4;
	_ =	sdelay $0x1  }
0xf0: {  	v3 =	vperm.xlane v3, v2;
	_ =	sdelay $0x1  }
0xf1: {  	s21 =	simm.s32 $0x2200;
	v3 =	vadd.s32 v1, v3  }
0xf2: {  	[tilespmem:s21], [sflag:$0x1] =	stream.indirect_vreg.gather [hbm4b:s4+s2], $0x80, v4, vm0, $0xb8;
	[tilespmem:$0x18200] =	vst v63  }
0xf3: {  	s21 =	simm.s32 $0x2A00  }
0xf4: {  	[tilespmem:s21], [sflag:$0x1] =	stream.indirect_vreg.gather [hbm4b:s5+s2], $0x80, v4, vm0, $0xb8;
	[tilespmem:$0x18200] =	vst v63  }
0xf5: {  	s21 =	simm.s32 $0x3200  }
0xf6: {  	[tilespmem:s21], [sflag:$0x1] =	stream.indirect_vreg.gather [hbm4b:s4+s2], $0x80, v3, vm0, $0xb8;
	[tilespmem:$0x18200] =	vst v63  }
0xf7: {  	_ = 	snop  }
0xf8: {  	[tilespmem:s30], [sflag:$0x1] =	stream.indirect_vreg.gather [hbm4b:s5+s2], $0x80, v3, vm0, $0xb8;
	[tilespmem:$0x18200] =	vst v63  }
0xf9: {  	v3 =	vld [tilespmem:$0xE0];
	_ =	sdelay $0x4  }
0xfa: {  	v46 =	vshll.u32 v3, $0x2  }
0xfb: {  	v3 =	vand.u32 $0x7, v3;
	v4 =	vand.u32 $0xFFFFFFE0, v46  }
0xfc: {  	v3 =	vor.u32 v3, v4  }
0xfd: {  	v4 =	vperm.xlane v3, v0;
	_ =	sdelay $0x1  }
0xfe: {  	v4 =	vadd.s32 v1, v4;
	_ =	sdelay $0x1  }
0xff: {  	v3 =	vperm.xlane v3, v2;
	_ =	sdelay $0x1  }
0x100: {  	v3 =	vadd.s32 v1, v3  }
0x101: {  	[tilespmem:s31], [sflag:$0x1] =	stream.indirect_vreg.gather [hbm4b:s4+s2], $0x80, v4, vm0, $0xb8;
	[tilespmem:$0x18200] =	vst v63  }
0x102: {  	s21 =	simm.s32 $0x4A00  }
0x103: {  	[tilespmem:s21], [sflag:$0x1] =	stream.indirect_vreg.gather [hbm4b:s5+s2], $0x80, v4, vm0, $0xb8;
	[tilespmem:$0x18200] =	vst v63  }
0x104: {  	s21 =	simm.s32 $0x5200  }
0x105: {  	[tilespmem:s21], [sflag:$0x1] =	stream.indirect_vreg.gather [hbm4b:s4+s2], $0x80, v3, vm0, $0xb8;
	[tilespmem:$0x18200] =	vst v63  }
0x106: {  	s21 =	simm.s32 $0x5A00  }
0x107: {  	[tilespmem:s21], [sflag:$0x1] =	stream.indirect_vreg.gather [hbm4b:s5+s2], $0x80, v3, vm0, $0xb8;
	[tilespmem:$0x18200] =	vst v63  }
0x108: {  	v3 =	vld [tilespmem:$0xF0];
	_ =	sdelay $0x4  }
0x109: {  	v47 =	vshll.u32 v3, $0x2  }
0x10a: {  	v3 =	vand.u32 $0x7, v3;
	v4 =	vand.u32 $0xFFFFFFE0, v47  }
0x10b: {  	v3 =	vor.u32 v3, v4  }
0x10c: {  	v4 =	vperm.xlane v3, v0;
	_ =	sdelay $0x1  }
0x10d: {  	v4 =	vadd.s32 v1, v4;
	_ =	sdelay $0x1  }
0x10e: {  	v3 =	vperm.xlane v3, v2;
	_ =	sdelay $0x1  }
0x10f: {  	s21 =	simm.s32 $0x6200;
	v3 =	vadd.s32 v1, v3  }
0x110: {  	[tilespmem:s21], [sflag:$0x1] =	stream.indirect_vreg.gather [hbm4b:s4+s2], $0x80, v4, vm0, $0xb8;
	[tilespmem:$0x18200] =	vst v63  }
0x111: {  	s21 =	simm.s32 $0x6A00  }
0x112: {  	[tilespmem:s21], [sflag:$0x1] =	stream.indirect_vreg.gather [hbm4b:s5+s2], $0x80, v4, vm0, $0xb8;
	[tilespmem:$0x18200] =	vst v63  }
0x113: {  	s21 =	simm.s32 $0x7200  }
0x114: {  	[tilespmem:s21], [sflag:$0x1] =	stream.indirect_vreg.gather [hbm4b:s4+s2], $0x80, v3, vm0, $0xb8;
	[tilespmem:$0x18200] =	vst v63  }
0x115: {  	s21 =	simm.s32 $0x7A00  }
0x116: {  	[tilespmem:s21], [sflag:$0x1] =	stream.indirect_vreg.gather [hbm4b:s5+s2], $0x80, v3, vm0, $0xb8;
	[tilespmem:$0x18200] =	vst v63  }
0x117: {  	_ =	swait.ge [sflag:s18], $0x8000  }
0x118: {  	[sflag:s18] =	ssyncset.done $0x0  }
0x119: {  	s21 =	rddreg [dreg:$0x6];
	[sflag:s18] =	ssyncadd.s32 $0xFFFF8000  }
0x11a: {  	[hbm4b:s21+s2] =	stream.linear.scatter [tilespmem:s8], [sflag:$0x6], $0x8000, $0x38;
	[tilespmem:$0x18200] =	vst v63  }
0x11b: {  	_ =	swait.ge [sflag:s19], $0x8000  }
0x11c: {  	[sflag:s19] =	ssyncset.done $0x0  }
0x11d: {  	[sflag:s19] =	ssyncadd.s32 $0xFFFF8000  }
0x11e: {  	v3 =	vld [tilespmem:$0x100];
	_ =	sdelay $0x4  }
0x11f: {  	v48 =	vshll.u32 v3, $0x2  }
0x120: {  	v3 =	vand.u32 $0x7, v3;
	v4 =	vand.u32 $0xFFFFFFE0, v48  }
0x121: {  	v3 =	vor.u32 v3, v4  }
0x122: {  	v4 =	vperm.xlane v3, v0;
	_ =	sdelay $0x1  }
0x123: {  	v4 =	vadd.s32 v1, v4;
	_ =	sdelay $0x1  }
0x124: {  	v3 =	vperm.xlane v3, v2;
	_ =	sdelay $0x1  }
0x125: {  	v3 =	vadd.s32 v1, v3  }
0x126: {  	[tilespmem:s29], [sflag:$0x2] =	stream.indirect_vreg.gather [hbm4b:s4+s2], $0x80, v4, vm0, $0xb8;
	[tilespmem:$0x18200] =	vst v63  }
0x127: {  	s21 =	simm.s32 $0x8A00  }
0x128: {  	[tilespmem:s21], [sflag:$0x2] =	stream.indirect_vreg.gather [hbm4b:s5+s2], $0x80, v4, vm0, $0xb8;
	[tilespmem:$0x18200] =	vst v63  }
0x129: {  	s21 =	simm.s32 $0x9200  }
0x12a: {  	[tilespmem:s21], [sflag:$0x2] =	stream.indirect_vreg.gather [hbm4b:s4+s2], $0x80, v3, vm0, $0xb8;
	[tilespmem:$0x18200] =	vst v63  }
0x12b: {  	s21 =	simm.s32 $0x9A00  }
0x12c: {  	[tilespmem:s21], [sflag:$0x2] =	stream.indirect_vreg.gather [hbm4b:s5+s2], $0x80, v3, vm0, $0xb8;
	[tilespmem:$0x18200] =	vst v63  }
0x12d: {  	v3 =	vld [tilespmem:$0x110];
	_ =	sdelay $0x4  }
0x12e: {  	v49 =	vshll.u32 v3, $0x2  }
0x12f: {  	v3 =	vand.u32 $0x7, v3;
	v4 =	vand.u32 $0xFFFFFFE0, v49  }
0x130: {  	v3 =	vor.u32 v3, v4  }
0x131: {  	v4 =	vperm.xlane v3, v0;
	_ =	sdelay $0x1  }
0x132: {  	v4 =	vadd.s32 v1, v4;
	_ =	sdelay $0x1  }
0x133: {  	v3 =	vperm.xlane v3, v2;
	_ =	sdelay $0x1  }
0x134: {  	s21 =	simm.s32 $0xA200;
	v3 =	vadd.s32 v1, v3  }
0x135: {  	[tilespmem:s21], [sflag:$0x2] =	stream.indirect_vreg.gather [hbm4b:s4+s2], $0x80, v4, vm0, $0xb8;
	[tilespmem:$0x18200] =	vst v63  }
0x136: {  	s21 =	simm.s32 $0xAA00  }
0x137: {  	[tilespmem:s21], [sflag:$0x2] =	stream.indirect_vreg.gather [hbm4b:s5+s2], $0x80, v4, vm0, $0xb8;
	[tilespmem:$0x18200] =	vst v63  }
0x138: {  	s21 =	simm.s32 $0xB200  }
0x139: {  	[tilespmem:s21], [sflag:$0x2] =	stream.indirect_vreg.gather [hbm4b:s4+s2], $0x80, v3, vm0, $0xb8;
	[tilespmem:$0x18200] =	vst v63  }
0x13a: {  	s21 =	simm.s32 $0xBA00  }
0x13b: {  	[tilespmem:s21], [sflag:$0x2] =	stream.indirect_vreg.gather [hbm4b:s5+s2], $0x80, v3, vm0, $0xb8;
	[tilespmem:$0x18200] =	vst v63  }
0x13c: {  	v3 =	vld [tilespmem:$0x120];
	_ =	sdelay $0x4  }
0x13d: {  	v50 =	vshll.u32 v3, $0x2  }
0x13e: {  	v3 =	vand.u32 $0x7, v3;
	v4 =	vand.u32 $0xFFFFFFE0, v50  }
0x13f: {  	v3 =	vor.u32 v3, v4  }
0x140: {  	v4 =	vperm.xlane v3, v0;
	_ =	sdelay $0x1  }
0x141: {  	v4 =	vadd.s32 v1, v4;
	_ =	sdelay $0x1  }
0x142: {  	v3 =	vperm.xlane v3, v2;
	_ =	sdelay $0x1  }
0x143: {  	s21 =	simm.s32 $0xC200;
	v3 =	vadd.s32 v1, v3  }
0x144: {  	[tilespmem:s21], [sflag:$0x2] =	stream.indirect_vreg.gather [hbm4b:s4+s2], $0x80, v4, vm0, $0xb8;
	[tilespmem:$0x18200] =	vst v63  }
0x145: {  	s21 =	simm.s32 $0xCA00  }
0x146: {  	[tilespmem:s21], [sflag:$0x2] =	stream.indirect_vreg.gather [hbm4b:s5+s2], $0x80, v4, vm0, $0xb8;
	[tilespmem:$0x18200] =	vst v63  }
0x147: {  	s21 =	simm.s32 $0xD200  }
0x148: {  	[tilespmem:s21], [sflag:$0x2] =	stream.indirect_vreg.gather [hbm4b:s4+s2], $0x80, v3, vm0, $0xb8;
	[tilespmem:$0x18200] =	vst v63  }
0x149: {  	s21 =	simm.s32 $0xDA00  }
0x14a: {  	[tilespmem:s21], [sflag:$0x2] =	stream.indirect_vreg.gather [hbm4b:s5+s2], $0x80, v3, vm0, $0xb8;
	[tilespmem:$0x18200] =	vst v63  }
0x14b: {  	v3 =	vld [tilespmem:$0x130];
	_ =	sdelay $0x4  }
0x14c: {  	v51 =	vshll.u32 v3, $0x2  }
0x14d: {  	v3 =	vand.u32 $0x7, v3;
	v4 =	vand.u32 $0xFFFFFFE0, v51  }
0x14e: {  	v3 =	vor.u32 v3, v4  }
0x14f: {  	v4 =	vperm.xlane v3, v0;
	_ =	sdelay $0x1  }
0x150: {  	v4 =	vadd.s32 v1, v4;
	_ =	sdelay $0x1  }
0x151: {  	v3 =	vperm.xlane v3, v2;
	_ =	sdelay $0x1  }
0x152: {  	s21 =	simm.s32 $0xE200;
	v3 =	vadd.s32 v1, v3  }
0x153: {  	[tilespmem:s21], [sflag:$0x2] =	stream.indirect_vreg.gather [hbm4b:s4+s2], $0x80, v4, vm0, $0xb8;
	[tilespmem:$0x18200] =	vst v63  }
0x154: {  	s21 =	simm.s32 $0xEA00  }
0x155: {  	[tilespmem:s21], [sflag:$0x2] =	stream.indirect_vreg.gather [hbm4b:s5+s2], $0x80, v4, vm0, $0xb8;
	[tilespmem:$0x18200] =	vst v63  }
0x156: {  	s21 =	simm.s32 $0xF200  }
0x157: {  	[tilespmem:s21], [sflag:$0x2] =	stream.indirect_vreg.gather [hbm4b:s4+s2], $0x80, v3, vm0, $0xb8;
	[tilespmem:$0x18200] =	vst v63  }
0x158: {  	s21 =	simm.s32 $0xFA00  }
0x159: {  	[tilespmem:s21], [sflag:$0x2] =	stream.indirect_vreg.gather [hbm4b:s5+s2], $0x80, v3, vm0, $0xb8;
	[tilespmem:$0x18200] =	vst v63  }
0x15a: {  	_ =	swait.ge [sflag:s14], $0x8000  }
0x15b: {  	[sflag:s14] =	ssyncset.done $0x0  }
0x15c: {  	s21 =	rddreg [dreg:$0x7];
	[sflag:s14] =	ssyncadd.s32 $0xFFFF8000  }
0x15d: {  	[hbm4b:s21+s2] =	stream.linear.scatter [tilespmem:s0], [sflag:$0x4], $0x8000, $0x38;
	[tilespmem:$0x18200] =	vst v63  }
0x15e: {  	_ =	swait.ge [sflag:s20], $0x8000  }
0x15f: {  	[sflag:s20] =	ssyncset.done $0x0  }
0x160: {  	[sflag:s20] =	ssyncadd.s32 $0xFFFF8000  }
0x161: {  	v3 =	vld [tilespmem:$0x140];
	_ =	sdelay $0x4  }
0x162: {  	v52 =	vshll.u32 v3, $0x2  }
0x163: {  	v3 =	vand.u32 $0x7, v3;
	v4 =	vand.u32 $0xFFFFFFE0, v52  }
0x164: {  	v3 =	vor.u32 v3, v4  }
0x165: {  	v4 =	vperm.xlane v3, v0;
	_ =	sdelay $0x1  }
0x166: {  	v4 =	vadd.s32 v1, v4;
	_ =	sdelay $0x1  }
0x167: {  	v3 =	vperm.xlane v3, v2;
	_ =	sdelay $0x1  }
0x168: {  	v3 =	vadd.s32 v1, v3  }
0x169: {  	[tilespmem:s8], [sflag:$0x3] =	stream.indirect_vreg.gather [hbm4b:s4+s2], $0x80, v4, vm0, $0xb8;
	[tilespmem:$0x18200] =	vst v63  }
0x16a: {  	_ = 	snop  }
0x16b: {  	[tilespmem:s12], [sflag:$0x3] =	stream.indirect_vreg.gather [hbm4b:s5+s2], $0x80, v4, vm0, $0xb8;
	[tilespmem:$0x18200] =	vst v63  }
0x16c: {  	_ = 	snop  }
0x16d: {  	[tilespmem:s13], [sflag:$0x3] =	stream.indirect_vreg.gather [hbm4b:s4+s2], $0x80, v3, vm0, $0xb8;
	[tilespmem:$0x18200] =	vst v63  }
0x16e: {  	_ = 	snop  }
0x16f: {  	[tilespmem:s15], [sflag:$0x3] =	stream.indirect_vreg.gather [hbm4b:s5+s2], $0x80, v3, vm0, $0xb8;
	[tilespmem:$0x18200] =	vst v63  }
0x170: {  	v3 =	vld [tilespmem:$0x150];
	_ =	sdelay $0x4  }
0x171: {  	v53 =	vshll.u32 v3, $0x2  }
0x172: {  	v3 =	vand.u32 $0x7, v3;
	v4 =	vand.u32 $0xFFFFFFE0, v53  }
0x173: {  	v3 =	vor.u32 v3, v4  }
0x174: {  	v4 =	vperm.xlane v3, v0;
	_ =	sdelay $0x1  }
0x175: {  	v4 =	vadd.s32 v1, v4;
	_ =	sdelay $0x1  }
0x176: {  	v3 =	vperm.xlane v3, v2;
	_ =	sdelay $0x1  }
0x177: {  	v3 =	vadd.s32 v1, v3  }
0x178: {  	[tilespmem:s24], [sflag:$0x3] =	stream.indirect_vreg.gather [hbm4b:s4+s2], $0x80, v4, vm0, $0xb8;
	[tilespmem:$0x18200] =	vst v63  }
0x179: {  	_ = 	snop  }
0x17a: {  	[tilespmem:s1], [sflag:$0x3] =	stream.indirect_vreg.gather [hbm4b:s5+s2], $0x80, v4, vm0, $0xb8;
	[tilespmem:$0x18200] =	vst v63  }
0x17b: {  	_ = 	snop  }
0x17c: {  	[tilespmem:s3], [sflag:$0x3] =	stream.indirect_vreg.gather [hbm4b:s4+s2], $0x80, v3, vm0, $0xb8;
	[tilespmem:$0x18200] =	vst v63  }
0x17d: {  	_ = 	snop  }
0x17e: {  	[tilespmem:s7], [sflag:$0x3] =	stream.indirect_vreg.gather [hbm4b:s5+s2], $0x80, v3, vm0, $0xb8;
	[tilespmem:$0x18200] =	vst v63  }
0x17f: {  	v3 =	vld [tilespmem:$0x160];
	_ =	sdelay $0x4  }
0x180: {  	v54 =	vshll.u32 v3, $0x2  }
0x181: {  	v3 =	vand.u32 $0x7, v3;
	v4 =	vand.u32 $0xFFFFFFE0, v54  }
0x182: {  	v3 =	vor.u32 v3, v4  }
0x183: {  	v4 =	vperm.xlane v3, v0;
	_ =	sdelay $0x1  }
0x184: {  	v4 =	vadd.s32 v1, v4;
	_ =	sdelay $0x1  }
0x185: {  	v3 =	vperm.xlane v3, v2;
	_ =	sdelay $0x1  }
0x186: {  	v3 =	vadd.s32 v1, v3  }
0x187: {  	[tilespmem:s9], [sflag:$0x3] =	stream.indirect_vreg.gather [hbm4b:s4+s2], $0x80, v4, vm0, $0xb8;
	[tilespmem:$0x18200] =	vst v63  }
0x188: {  	_ = 	snop  }
0x189: {  	[tilespmem:s10], [sflag:$0x3] =	stream.indirect_vreg.gather [hbm4b:s5+s2], $0x80, v4, vm0, $0xb8;
	[tilespmem:$0x18200] =	vst v63  }
0x18a: {  	_ = 	snop  }
0x18b: {  	[tilespmem:s11], [sflag:$0x3] =	stream.indirect_vreg.gather [hbm4b:s4+s2], $0x80, v3, vm0, $0xb8;
	[tilespmem:$0x18200] =	vst v63  }
0x18c: {  	_ = 	snop  }
0x18d: {  	[tilespmem:s22], [sflag:$0x3] =	stream.indirect_vreg.gather [hbm4b:s5+s2], $0x80, v3, vm0, $0xb8;
	[tilespmem:$0x18200] =	vst v63  }
0x18e: {  	v3 =	vld [tilespmem:$0x170];
	_ =	sdelay $0x4  }
0x18f: {  	v55 =	vshll.u32 v3, $0x2  }
0x190: {  	v3 =	vand.u32 $0x7, v3;
	v4 =	vand.u32 $0xFFFFFFE0, v55  }
0x191: {  	v3 =	vor.u32 v3, v4  }
0x192: {  	v4 =	vperm.xlane v3, v0;
	_ =	sdelay $0x1  }
0x193: {  	v4 =	vadd.s32 v1, v4;
	_ =	sdelay $0x1  }
0x194: {  	v3 =	vperm.xlane v3, v2;
	_ =	sdelay $0x1  }
0x195: {  	v3 =	vadd.s32 v1, v3  }
0x196: {  	[tilespmem:s23], [sflag:$0x3] =	stream.indirect_vreg.gather [hbm4b:s4+s2], $0x80, v4, vm0, $0xb8;
	[tilespmem:$0x18200] =	vst v63  }
0x197: {  	_ = 	snop  }
0x198: {  	[tilespmem:s25], [sflag:$0x3] =	stream.indirect_vreg.gather [hbm4b:s5+s2], $0x80, v4, vm0, $0xb8;
	[tilespmem:$0x18200] =	vst v63  }
0x199: {  	_ = 	snop  }
0x19a: {  	[tilespmem:s26], [sflag:$0x3] =	stream.indirect_vreg.gather [hbm4b:s4+s2], $0x80, v3, vm0, $0xb8;
	[tilespmem:$0x18200] =	vst v63  }
0x19b: {  	_ = 	snop  }
0x19c: {  	[tilespmem:s28], [sflag:$0x3] =	stream.indirect_vreg.gather [hbm4b:s5+s2], $0x80, v3, vm0, $0xb8;
	[tilespmem:$0x18200] =	vst v63  }
0x19d: {  	_ =	swait.ge [sflag:s16], $0x8000  }
0x19e: {  	[sflag:s16] =	ssyncset.done $0x0  }
0x19f: {  	s1 =	rddreg [dreg:$0x8];
	[sflag:s16] =	ssyncadd.s32 $0xFFFF8000  }
0x1a0: {  	[hbm4b:s1+s2] =	stream.linear.scatter [tilespmem:s29], [sflag:$0x5], $0x8000, $0x38;
	[tilespmem:$0x18200] =	vst v63  }
0x1a1: {  	_ =	swait.ge [sflag:s17], $0x8000  }
0x1a2: {  	[sflag:s17] =	ssyncset.done $0x0  }
0x1a3: {  	[sflag:s17] =	ssyncadd.s32 $0xFFFF8000  }
0x1a4: {  	v3 =	vld [tilespmem:$0x180];
	_ =	sdelay $0x4  }
0x1a5: {  	v56 =	vshll.u32 v3, $0x2  }
0x1a6: {  	v3 =	vand.u32 $0x7, v3;
	v4 =	vand.u32 $0xFFFFFFE0, v56  }
0x1a7: {  	v3 =	vor.u32 v3, v4  }
0x1a8: {  	v4 =	vperm.xlane v3, v0;
	_ =	sdelay $0x1  }
0x1a9: {  	v4 =	vadd.s32 v1, v4;
	_ =	sdelay $0x1  }
0x1aa: {  	v3 =	vperm.xlane v3, v2;
	_ =	sdelay $0x1  }
0x1ab: {  	v3 =	vadd.s32 v1, v3  }
0x1ac: {  	[tilespmem:s0], [sflag:$0x1] =	stream.indirect_vreg.gather [hbm4b:s4+s2], $0x80, v4, vm0, $0xb8;
	[tilespmem:$0x18200] =	vst v63  }
0x1ad: {  	s21 =	simm.s32 $0xA00  }
0x1ae: {  	[tilespmem:s21], [sflag:$0x1] =	stream.indirect_vreg.gather [hbm4b:s5+s2], $0x80, v4, vm0, $0xb8;
	[tilespmem:$0x18200] =	vst v63  }
0x1af: {  	s21 =	simm.s32 $0x1200  }
0x1b0: {  	[tilespmem:s21], [sflag:$0x1] =	stream.indirect_vreg.gather [hbm4b:s4+s2], $0x80, v3, vm0, $0xb8;
	[tilespmem:$0x18200] =	vst v63  }
0x1b1: {  	s21 =	simm.s32 $0x1A00  }
0x1b2: {  	[tilespmem:s21], [sflag:$0x1] =	stream.indirect_vreg.gather [hbm4b:s5+s2], $0x80, v3, vm0, $0xb8;
	[tilespmem:$0x18200] =	vst v63  }
0x1b3: {  	v3 =	vld [tilespmem:$0x190];
	_ =	sdelay $0x4  }
0x1b4: {  	v57 =	vshll.u32 v3, $0x2  }
0x1b5: {  	v3 =	vand.u32 $0x7, v3;
	v4 =	vand.u32 $0xFFFFFFE0, v57  }
0x1b6: {  	v3 =	vor.u32 v3, v4  }
0x1b7: {  	v4 =	vperm.xlane v3, v0;
	_ =	sdelay $0x1  }
0x1b8: {  	v4 =	vadd.s32 v1, v4;
	_ =	sdelay $0x1  }
0x1b9: {  	v3 =	vperm.xlane v3, v2;
	_ =	sdelay $0x1  }
0x1ba: {  	s21 =	simm.s32 $0x2200;
	v3 =	vadd.s32 v1, v3  }
0x1bb: {  	[tilespmem:s21], [sflag:$0x1] =	stream.indirect_vreg.gather [hbm4b:s4+s2], $0x80, v4, vm0, $0xb8;
	[tilespmem:$0x18200] =	vst v63  }
0x1bc: {  	s21 =	simm.s32 $0x2A00  }
0x1bd: {  	[tilespmem:s21], [sflag:$0x1] =	stream.indirect_vreg.gather [hbm4b:s5+s2], $0x80, v4, vm0, $0xb8;
	[tilespmem:$0x18200] =	vst v63  }
0x1be: {  	s21 =	simm.s32 $0x3200  }
0x1bf: {  	[tilespmem:s21], [sflag:$0x1] =	stream.indirect_vreg.gather [hbm4b:s4+s2], $0x80, v3, vm0, $0xb8;
	[tilespmem:$0x18200] =	vst v63  }
0x1c0: {  	_ = 	snop  }
0x1c1: {  	[tilespmem:s30], [sflag:$0x1] =	stream.indirect_vreg.gather [hbm4b:s5+s2], $0x80, v3, vm0, $0xb8;
	[tilespmem:$0x18200] =	vst v63  }
0x1c2: {  	v3 =	vld [tilespmem:$0x1A0];
	_ =	sdelay $0x4  }
0x1c3: {  	v58 =	vshll.u32 v3, $0x2  }
0x1c4: {  	v3 =	vand.u32 $0x7, v3;
	v4 =	vand.u32 $0xFFFFFFE0, v58  }
0x1c5: {  	v3 =	vor.u32 v3, v4  }
0x1c6: {  	v4 =	vperm.xlane v3, v0;
	_ =	sdelay $0x1  }
0x1c7: {  	v4 =	vadd.s32 v1, v4;
	_ =	sdelay $0x1  }
0x1c8: {  	v3 =	vperm.xlane v3, v2;
	_ =	sdelay $0x1  }
0x1c9: {  	v3 =	vadd.s32 v1, v3  }
0x1ca: {  	[tilespmem:s31], [sflag:$0x1] =	stream.indirect_vreg.gather [hbm4b:s4+s2], $0x80, v4, vm0, $0xb8;
	[tilespmem:$0x18200] =	vst v63  }
0x1cb: {  	s21 =	simm.s32 $0x4A00  }
0x1cc: {  	[tilespmem:s21], [sflag:$0x1] =	stream.indirect_vreg.gather [hbm4b:s5+s2], $0x80, v4, vm0, $0xb8;
	[tilespmem:$0x18200] =	vst v63  }
0x1cd: {  	s21 =	simm.s32 $0x5200  }
0x1ce: {  	[tilespmem:s21], [sflag:$0x1] =	stream.indirect_vreg.gather [hbm4b:s4+s2], $0x80, v3, vm0, $0xb8;
	[tilespmem:$0x18200] =	vst v63  }
0x1cf: {  	s21 =	simm.s32 $0x5A00  }
0x1d0: {  	[tilespmem:s21], [sflag:$0x1] =	stream.indirect_vreg.gather [hbm4b:s5+s2], $0x80, v3, vm0, $0xb8;
	[tilespmem:$0x18200] =	vst v63  }
0x1d1: {  	v3 =	vld [tilespmem:$0x1B0];
	_ =	sdelay $0x4  }
0x1d2: {  	v59 =	vshll.u32 v3, $0x2  }
0x1d3: {  	v3 =	vand.u32 $0x7, v3;
	v4 =	vand.u32 $0xFFFFFFE0, v59  }
0x1d4: {  	v3 =	vor.u32 v3, v4  }
0x1d5: {  	v4 =	vperm.xlane v3, v0;
	_ =	sdelay $0x1  }
0x1d6: {  	v4 =	vadd.s32 v1, v4;
	_ =	sdelay $0x1  }
0x1d7: {  	v3 =	vperm.xlane v3, v2;
	_ =	sdelay $0x1  }
0x1d8: {  	s21 =	simm.s32 $0x6200;
	v3 =	vadd.s32 v1, v3  }
0x1d9: {  	[tilespmem:s21], [sflag:$0x1] =	stream.indirect_vreg.gather [hbm4b:s4+s2], $0x80, v4, vm0, $0xb8;
	[tilespmem:$0x18200] =	vst v63  }
0x1da: {  	s21 =	simm.s32 $0x6A00  }
0x1db: {  	[tilespmem:s21], [sflag:$0x1] =	stream.indirect_vreg.gather [hbm4b:s5+s2], $0x80, v4, vm0, $0xb8;
	[tilespmem:$0x18200] =	vst v63  }
0x1dc: {  	s21 =	simm.s32 $0x7200  }
0x1dd: {  	[tilespmem:s21], [sflag:$0x1] =	stream.indirect_vreg.gather [hbm4b:s4+s2], $0x80, v3, vm0, $0xb8;
	[tilespmem:$0x18200] =	vst v63  }
0x1de: {  	s21 =	simm.s32 $0x7A00  }
0x1df: {  	[tilespmem:s21], [sflag:$0x1] =	stream.indirect_vreg.gather [hbm4b:s5+s2], $0x80, v3, vm0, $0xb8;
	[tilespmem:$0x18200] =	vst v63  }
0x1e0: {  	_ =	swait.ge [sflag:s18], $0x8000  }
0x1e1: {  	[sflag:s18] =	ssyncset.done $0x0  }
0x1e2: {  	s1 =	rddreg [dreg:$0x9];
	[sflag:s18] =	ssyncadd.s32 $0xFFFF8000  }
0x1e3: {  	[hbm4b:s1+s2] =	stream.linear.scatter [tilespmem:s8], [sflag:$0x6], $0x8000, $0x38;
	[tilespmem:$0x18200] =	vst v63  }
0x1e4: {  	_ =	swait.ge [sflag:s19], $0x8000  }
0x1e5: {  	[sflag:s19] =	ssyncset.done $0x0  }
0x1e6: {  	[sflag:s19] =	ssyncadd.s32 $0xFFFF8000  }
0x1e7: {  	v3 =	vld [tilespmem:$0x1C0];
	_ =	sdelay $0x4  }
0x1e8: {  	v60 =	vshll.u32 v3, $0x2  }
0x1e9: {  	v3 =	vand.u32 $0x7, v3;
	v4 =	vand.u32 $0xFFFFFFE0, v60  }
0x1ea: {  	v3 =	vor.u32 v3, v4  }
0x1eb: {  	v4 =	vperm.xlane v3, v0;
	_ =	sdelay $0x1  }
0x1ec: {  	v4 =	vadd.s32 v1, v4;
	_ =	sdelay $0x1  }
0x1ed: {  	v3 =	vperm.xlane v3, v2;
	_ =	sdelay $0x1  }
0x1ee: {  	v3 =	vadd.s32 v1, v3  }
0x1ef: {  	[tilespmem:s29], [sflag:$0x2] =	stream.indirect_vreg.gather [hbm4b:s4+s2], $0x80, v4, vm0, $0xb8;
	[tilespmem:$0x18200] =	vst v63  }
0x1f0: {  	s21 =	simm.s32 $0x8A00  }
0x1f1: {  	[tilespmem:s21], [sflag:$0x2] =	stream.indirect_vreg.gather [hbm4b:s5+s2], $0x80, v4, vm0, $0xb8;
	[tilespmem:$0x18200] =	vst v63  }
0x1f2: {  	s21 =	simm.s32 $0x9200  }
0x1f3: {  	[tilespmem:s21], [sflag:$0x2] =	stream.indirect_vreg.gather [hbm4b:s4+s2], $0x80, v3, vm0, $0xb8;
	[tilespmem:$0x18200] =	vst v63  }
0x1f4: {  	s21 =	simm.s32 $0x9A00  }
0x1f5: {  	[tilespmem:s21], [sflag:$0x2] =	stream.indirect_vreg.gather [hbm4b:s5+s2], $0x80, v3, vm0, $0xb8;
	[tilespmem:$0x18200] =	vst v63  }
0x1f6: {  	v3 =	vld [tilespmem:$0x1D0];
	_ =	sdelay $0x4  }
0x1f7: {  	v61 =	vshll.u32 v3, $0x2  }
0x1f8: {  	v3 =	vand.u32 $0x7, v3;
	v4 =	vand.u32 $0xFFFFFFE0, v61  }
0x1f9: {  	v3 =	vor.u32 v3, v4  }
0x1fa: {  	v4 =	vperm.xlane v3, v0;
	_ =	sdelay $0x1  }
0x1fb: {  	v4 =	vadd.s32 v1, v4;
	_ =	sdelay $0x1  }
0x1fc: {  	v3 =	vperm.xlane v3, v2;
	_ =	sdelay $0x1  }
0x1fd: {  	s21 =	simm.s32 $0xA200;
	v3 =	vadd.s32 v1, v3  }
0x1fe: {  	[tilespmem:s21], [sflag:$0x2] =	stream.indirect_vreg.gather [hbm4b:s4+s2], $0x80, v4, vm0, $0xb8;
	[tilespmem:$0x18200] =	vst v63  }
0x1ff: {  	s21 =	simm.s32 $0xAA00  }
0x200: {  	[tilespmem:s21], [sflag:$0x2] =	stream.indirect_vreg.gather [hbm4b:s5+s2], $0x80, v4, vm0, $0xb8;
	[tilespmem:$0x18200] =	vst v63  }
0x201: {  	s21 =	simm.s32 $0xB200  }
0x202: {  	[tilespmem:s21], [sflag:$0x2] =	stream.indirect_vreg.gather [hbm4b:s4+s2], $0x80, v3, vm0, $0xb8;
	[tilespmem:$0x18200] =	vst v63  }
0x203: {  	s21 =	simm.s32 $0xBA00  }
0x204: {  	[tilespmem:s21], [sflag:$0x2] =	stream.indirect_vreg.gather [hbm4b:s5+s2], $0x80, v3, vm0, $0xb8;
	[tilespmem:$0x18200] =	vst v63  }
0x205: {  	v3 =	vld [tilespmem:$0x1E0];
	_ =	sdelay $0x4  }
0x206: {  	v62 =	vshll.u32 v3, $0x2  }
0x207: {  	v3 =	vand.u32 $0x7, v3;
	v4 =	vand.u32 $0xFFFFFFE0, v62  }
0x208: {  	v3 =	vor.u32 v3, v4  }
0x209: {  	v4 =	vperm.xlane v3, v0;
	_ =	sdelay $0x1  }
0x20a: {  	v4 =	vadd.s32 v1, v4;
	_ =	sdelay $0x1  }
0x20b: {  	v3 =	vperm.xlane v3, v2;
	_ =	sdelay $0x1  }
0x20c: {  	s21 =	simm.s32 $0xC200;
	v3 =	vadd.s32 v1, v3  }
0x20d: {  	[tilespmem:s21], [sflag:$0x2] =	stream.indirect_vreg.gather [hbm4b:s4+s2], $0x80, v4, vm0, $0xb8;
	[tilespmem:$0x18200] =	vst v63  }
0x20e: {  	s21 =	simm.s32 $0xCA00  }
0x20f: {  	[tilespmem:s21], [sflag:$0x2] =	stream.indirect_vreg.gather [hbm4b:s5+s2], $0x80, v4, vm0, $0xb8;
	[tilespmem:$0x18200] =	vst v63  }
0x210: {  	s21 =	simm.s32 $0xD200  }
0x211: {  	[tilespmem:s21], [sflag:$0x2] =	stream.indirect_vreg.gather [hbm4b:s4+s2], $0x80, v3, vm0, $0xb8;
	[tilespmem:$0x18200] =	vst v63  }
0x212: {  	s21 =	simm.s32 $0xDA00  }
0x213: {  	[tilespmem:s21], [sflag:$0x2] =	stream.indirect_vreg.gather [hbm4b:s5+s2], $0x80, v3, vm0, $0xb8;
	[tilespmem:$0x18200] =	vst v63  }
0x214: {  	v3 =	vld [tilespmem:$0x1F0];
	_ =	sdelay $0x4  }
0x215: {  	v63 =	vshll.u32 v3, $0x2  }
0x216: {  	v3 =	vand.u32 $0x7, v3;
	v4 =	vand.u32 $0xFFFFFFE0, v63  }
0x217: {  	v3 =	vor.u32 v3, v4  }
0x218: {  	v4 =	vperm.xlane v3, v0;
	_ =	sdelay $0x1  }
0x219: {  	v4 =	vadd.s32 v1, v4;
	_ =	sdelay $0x1  }
0x21a: {  	v3 =	vperm.xlane v3, v2;
	_ =	sdelay $0x1  }
0x21b: {  	s21 =	simm.s32 $0xE200;
	v3 =	vadd.s32 v1, v3  }
0x21c: {  	[tilespmem:s21], [sflag:$0x2] =	stream.indirect_vreg.gather [hbm4b:s4+s2], $0x80, v4, vm0, $0xb8;
	[tilespmem:$0x18200] =	vst v63  }
0x21d: {  	s21 =	simm.s32 $0xEA00  }
0x21e: {  	[tilespmem:s21], [sflag:$0x2] =	stream.indirect_vreg.gather [hbm4b:s5+s2], $0x80, v4, vm0, $0xb8;
	[tilespmem:$0x18200] =	vst v63  }
0x21f: {  	s21 =	simm.s32 $0xF200  }
0x220: {  	[tilespmem:s21], [sflag:$0x2] =	stream.indirect_vreg.gather [hbm4b:s4+s2], $0x80, v3, vm0, $0xb8;
	[tilespmem:$0x18200] =	vst v63  }
0x221: {  	s21 =	simm.s32 $0xFA00  }
0x222: {  	[tilespmem:s21], [sflag:$0x2] =	stream.indirect_vreg.gather [hbm4b:s5+s2], $0x80, v3, vm0, $0xb8;
	[tilespmem:$0x18200] =	vst v63  }
0x223: {  	_ =	swait.ge [sflag:s14], $0x8000  }
0x224: {  	[sflag:s14] =	ssyncset.done $0x0  }
0x225: {  	s1 =	rddreg [dreg:$0xa];
	[sflag:s14] =	ssyncadd.s32 $0xFFFF8000  }
0x226: {  	[hbm4b:s1+s2] =	stream.linear.scatter [tilespmem:s0], [sflag:$0x4], $0x8000, $0x38;
	[tilespmem:$0x18200] =	vst v63  }
0x227: {  	_ =	swait.ge [sflag:s16], $0x8000  }
0x228: {  	[sflag:s16] =	ssyncset.done $0x0  }
0x229: {  	s1 =	rddreg [dreg:$0xb];
	[sflag:s16] =	ssyncadd.s32 $0xFFFF8000  }
0x22a: {  	[hbm4b:s1+s2] =	stream.linear.scatter [tilespmem:s29], [sflag:$0x5], $0x8000, $0x38;
	[tilespmem:$0x18200] =	vst v63  }
0x22b: {  	_ =	swait.ge [sflag:s20], $0x8000  }
0x22c: {  	[sflag:s20] =	ssyncset.done $0x0  }
0x22d: {  	[sflag:s20] =	ssyncadd.s32 $0xFFFF8000  }
0x22e: {  	p0 =	sne.s32 s6, $0x1;
	_ =	swait.ge [sflag:s17], $0x8000  }
.Ltmp0:
0x22f: {  	[sflag:s17] =	ssyncset.done $0x0;
	(pc) =	sbr.rel @p0 .LBB2_1-.Ltmp0, $4  }
0x230: {  	[sflag:s17] =	ssyncadd.s32 $0xFFFF8000  }
0x231: {  	_ =	swait.ge [sflag:s19], $0x8000  }
0x232: {  	[sflag:s19] =	ssyncset.done $0x0  }
0x233: {  	s6 =	sadd.s32 $0xFFFFFFFF, s6;
	[sflag:s19] =	ssyncadd.s32 $0xFFFF8000  }
0x234: {  	_ =	sfence.sel $0x180000  }
0x235: {  	[bflag:$0x0] =	sbarrier.arrive $0xFFFF  }
0x236: {  	_ =	strace $0x90000047  }
0x237: {  	s0 =	stileid.u32;
	[bflag:$0x2] =	sbarrier.arrive $0xFFFF  }
0x238: {  	p0 =	sne.s32 s0, $0x0;
	s0 =	rddreg [dreg:$0x3]  }
0x239: {  	s0 =	sadd.s32 @!p0 $0x100000, s0  }
0x23a: {  	[sflag:s0] =	ssyncadd.tile.s32 @!p0 $0x1;
	_ =	shalt  }
.Lfunc_end2:
_tile_overlayer_lowered:
.L_overlay_start_2:
0x23b: {  	(tag) =	ssettag $0x2  }
0x23c: {  	s0 =	rddreg [dreg:$0x0];
	s2 =	stileid.u32  }
0x23d: {  	s1 =	rddreg [dreg:$0x1];
	p0 =	sne.s32 s2, $0x0  }
0x23e: {  	s3 =	rddreg [dreg:$0x2];
	[bflag:$0x3] =	sbarrier.arrive $0xFFFF;
	s2 =	simm.s32 @!p0 $0x1C07  }
0x23f: {  	[timem:s3], [sflag:s2] =	dma.local @!p0 [hbm:s0], s1  }
0x240: {  	s0 =	simm.s32 @!p0 $0x7  }
0x241: {  	_ =	swait.ge @!p0 [sflag:s0], s1  }
0x242: {  	s1 =	ssub.s32 @!p0 $0x0, s1;
	[sflag:s0] =	ssyncset.done @!p0 $0x0  }
0x243: {  	[sflag:s0] =	ssyncadd.s32 @!p0 s1  }
0x244: {  	[bflag:$0x3] =	sbarrier.arrive $0xFFFF  }
0x245: {  	_ =	shalt  }

</sc_bundles>
